<compile_context>
chip_gen: v7x
topology: tpu7x:2x2x1
jax: 0.10.2.dev20260603
libtpu: 0.0.44.dev20260713+nightly
codegen_flags: <defaults>
</compile_context>

<pallas_src>
import functools

import jax
import jax.numpy as jnp
from jax import lax
from jax.experimental import pallas as pl
from jax.experimental.pallas import tpu as pltpu
from jax.experimental.pallas import tpu_sc as plsc

N = 10000
D = 128
E = 320000
NPAD = 10240
NW = 32
B = 128
CHUNKS = 79
EPT = CHUNKS * B
EPAD = EPT * NW
RPT = NPAD // 16
RB = 512
GRID = NPAD // RB

_mesh = plsc.VectorSubcoreMesh(core_axis_name="c", subcore_axis_name="s")


@functools.partial(
    pl.kernel,
    mesh=_mesh,
    out_type=jax.ShapeDtypeStruct((2 * NPAD, D), jnp.float32),
    scratch_types=[
        pltpu.VMEM((CHUNKS, B), jnp.int32),
        pltpu.VMEM((B, D), jnp.float32),
        pltpu.VMEM_SHARED((NPAD, D), jnp.float32),
        pltpu.SemaphoreType.DMA,
    ],
)
def _deg_kernel(dst_hbm, ones_hbm, zeros_hbm, out_hbm, dst_v, ones_v, acc,
                sem):
    cid = lax.axis_index("c")
    sid = lax.axis_index("s")
    wid = sid * 2 + cid
    pltpu.sync_copy(zeros_hbm, acc.at[pl.ds(sid * RPT, RPT)])
    pltpu.sync_copy(ones_hbm, ones_v)
    pltpu.sync_copy(dst_hbm.at[wid], dst_v)
    plsc.subcore_barrier()

    def body(j, c):
        pltpu.async_copy(ones_v, acc.at[dst_v.at[j]], sem, add=True)

        @pl.when(j >= 4)
        def _():
            pltpu.make_async_copy(ones_v, acc.at[dst_v.at[j]], sem).wait()
        return c

    lax.fori_loop(0, CHUNKS, body, 0)

    def drain(j, c):
        pltpu.make_async_copy(ones_v, acc.at[dst_v.at[j]], sem).wait()
        return c

    lax.fori_loop(0, 4, drain, 0)
    plsc.subcore_barrier()
    pltpu.sync_copy(acc.at[pl.ds(sid * RPT, RPT)],
                    out_hbm.at[pl.ds(cid * NPAD + sid * RPT, RPT)])


@functools.partial(
    pl.kernel,
    mesh=_mesh,
    out_type=jax.ShapeDtypeStruct((2 * NPAD, D), jnp.float32),
    scratch_types=[
        pltpu.VMEM((CHUNKS, B), jnp.int32),
        pltpu.VMEM((CHUNKS, B), jnp.int32),
        pltpu.VMEM((B, D), jnp.float32),
        pltpu.VMEM_SHARED((NPAD, D), jnp.float32),
        pltpu.SemaphoreType.DMA,
    ],
)
def _scatter_kernel(y_hbm, src_hbm, dst_hbm, zeros_hbm, out_hbm,
                    src_v, dst_v, rows_v, acc, sem):
    cid = lax.axis_index("c")
    sid = lax.axis_index("s")
    wid = sid * 2 + cid
    pltpu.sync_copy(zeros_hbm, acc.at[pl.ds(sid * RPT, RPT)])
    pltpu.sync_copy(src_hbm.at[wid], src_v)
    pltpu.sync_copy(dst_hbm.at[wid], dst_v)
    plsc.subcore_barrier()

    def body(j, c):
        pltpu.async_copy(y_hbm.at[src_v.at[j]], rows_v, sem).wait()
        pltpu.sync_copy(rows_v, acc.at[dst_v.at[j]], add=True)
        return c

    lax.fori_loop(0, CHUNKS, body, 0)
    plsc.subcore_barrier()
    pltpu.sync_copy(acc.at[pl.ds(sid * RPT, RPT)],
                    out_hbm.at[pl.ds(cid * NPAD + sid * RPT, RPT)])


def _t1_body(x_ref, w_ref, degp_ref, y_ref, disb_ref):
    c = degp_ref[0, :, 0:1] + degp_ref[1, :, 0:1] + 1.0
    disb = lax.rsqrt(jnp.broadcast_to(c, (RB, D)))
    disb_ref[...] = disb
    y_ref[...] = jnp.dot(x_ref[...], w_ref[...],
                         preferred_element_type=jnp.float32) * disb


_t1 = pl.pallas_call(
    _t1_body,
    grid=(GRID,),
    in_specs=[
        pl.BlockSpec((RB, D), lambda i: (i, 0)),
        pl.BlockSpec((D, D), lambda i: (0, 0)),
        pl.BlockSpec((2, RB, D), lambda i: (0, i, 0)),
    ],
    out_specs=[
        pl.BlockSpec((RB, D), lambda i: (i, 0)),
        pl.BlockSpec((RB, D), lambda i: (i, 0)),
    ],
    out_shape=[
        jax.ShapeDtypeStruct((NPAD, D), jnp.float32),
        jax.ShapeDtypeStruct((NPAD, D), jnp.float32),
    ],
)


def _tmid_body(s_ref, y_ref, disb_ref, b_ref, w_ref, o_ref):
    disb = disb_ref[...]
    h = jnp.maximum((s_ref[0] + s_ref[1] + y_ref[...]) * disb + b_ref[...],
                    0.0)
    o_ref[...] = jnp.dot(h, w_ref[...],
                         preferred_element_type=jnp.float32) * disb


_tmid = pl.pallas_call(
    _tmid_body,
    grid=(GRID,),
    in_specs=[
        pl.BlockSpec((2, RB, D), lambda i: (0, i, 0)),
        pl.BlockSpec((RB, D), lambda i: (i, 0)),
        pl.BlockSpec((RB, D), lambda i: (i, 0)),
        pl.BlockSpec((1, D), lambda i: (0, 0)),
        pl.BlockSpec((D, D), lambda i: (0, 0)),
    ],
    out_specs=pl.BlockSpec((RB, D), lambda i: (i, 0)),
    out_shape=jax.ShapeDtypeStruct((NPAD, D), jnp.float32),
)


def _tfin_body(s_ref, y_ref, disb_ref, b_ref, o_ref):
    o_ref[...] = ((s_ref[0] + s_ref[1] + y_ref[...]) * disb_ref[...]
                  + b_ref[...])


_tfin = pl.pallas_call(
    _tfin_body,
    grid=(GRID,),
    in_specs=[
        pl.BlockSpec((2, RB, D), lambda i: (0, i, 0)),
        pl.BlockSpec((RB, D), lambda i: (i, 0)),
        pl.BlockSpec((RB, D), lambda i: (i, 0)),
        pl.BlockSpec((1, D), lambda i: (0, 0)),
    ],
    out_specs=pl.BlockSpec((RB, D), lambda i: (i, 0)),
    out_shape=jax.ShapeDtypeStruct((NPAD, D), jnp.float32),
)


def kernel(x, edge_index, W1, b1, W2, b2, W3, b3):
    src = edge_index[0].astype(jnp.int32)
    dst = edge_index[1].astype(jnp.int32)
    pad_e = EPAD - E
    src_p = jnp.concatenate(
        [src, jnp.zeros((pad_e,), jnp.int32)]).reshape(NW, CHUNKS, B)
    dst_p = jnp.concatenate(
        [dst, jnp.full((pad_e,), NPAD - 1, jnp.int32)]).reshape(NW, CHUNKS, B)
    x_p = jnp.pad(x, ((0, NPAD - N), (0, 0)))
    zD = jnp.zeros((RPT, D), jnp.float32)
    onesD = jnp.ones((B, D), jnp.float32)
    b1r = b1.reshape(1, D)
    b2r = b2.reshape(1, D)
    b3r = b3.reshape(1, D)

    degp = _deg_kernel(dst_p, onesD, zD).reshape(2, NPAD, D)
    y1, disb = _t1(x_p, W1, degp)
    s1 = _scatter_kernel(y1, src_p, dst_p, zD).reshape(2, NPAD, D)
    y2 = _tmid(s1, y1, disb, b1r, W2)
    s2 = _scatter_kernel(y2, src_p, dst_p, zD).reshape(2, NPAD, D)
    y3 = _tmid(s2, y2, disb, b2r, W3)
    s3 = _scatter_kernel(y3, src_p, dst_p, zD).reshape(2, NPAD, D)
    out = _tfin(s3, y3, disb, b3r)
    return out[:N]

# --- scband reference (transcript-rebuilt; emitter-appended) ---
"""Pipeline reference for scband-basic-gnn-15934328668460 (READ-ONLY COPY).

The authoritative reference and input builder live on the scoring server;
editing this copy changes nothing except your own understanding.
"""

import jax, jax.numpy as jnp
import numpy as np

N_NODES = 10000
N_EDGES = 320000
D = 128


def gcn_conv(x, edge_index, W, b, n):
    # PyG GCNConv semantics: add self-loops, symmetric degree normalization,
    # linear transform, scatter-add aggregation at target nodes.
    src = edge_index[0]
    dst = edge_index[1]
    loop = jnp.arange(n, dtype=src.dtype)
    src = jnp.concatenate([src, loop])
    dst = jnp.concatenate([dst, loop])
    xw = x @ W
    deg = jax.ops.segment_sum(jnp.ones(src.shape[0], dtype=xw.dtype), dst, num_segments=n)
    deg_inv_sqrt = jnp.where(deg > 0, jax.lax.rsqrt(jnp.maximum(deg, 1e-12)), 0.0)
    norm = deg_inv_sqrt[src] * deg_inv_sqrt[dst]
    msg = jnp.take(xw, src, axis=0) * norm[:, None]
    out = jax.ops.segment_sum(msg, dst, num_segments=n)
    return out + b


def setup_inputs(seed: int = 0) -> dict:
    key = jax.random.key(seed)
    k_x, k_e, k1, k2, k3 = jax.random.split(key, 5)
    x = jax.random.normal(k_x, (N_NODES, D), dtype=jnp.float32)
    edge_index = jax.random.randint(k_e, (2, N_EDGES), 0, N_NODES, dtype=jnp.int64)
    scale = 1.0 / np.sqrt(D)
    W1 = jax.random.normal(jax.random.fold_in(k1, 0), (D, D), dtype=jnp.float32) * scale
    b1 = jnp.zeros((D,), dtype=jnp.float32)
    W2 = jax.random.normal(jax.random.fold_in(k2, 0), (D, D), dtype=jnp.float32) * scale
    b2 = jnp.zeros((D,), dtype=jnp.float32)
    W3 = jax.random.normal(jax.random.fold_in(k3, 0), (D, D), dtype=jnp.float32) * scale
    b3 = jnp.zeros((D,), dtype=jnp.float32)
    return {"x": x, "edge_index": edge_index, "W1": W1, "b1": b1, "W2": W2, "b2": b2, "W3": W3, "b3": b3}


def reference(x, edge_index, W1, b1, W2, b2, W3, b3):
    n = x.shape[0]
    # conv layers from hidden_channels=[128,128,128] -> 2 GCNConv layers, each followed by relu
    h = jax.nn.relu(gcn_conv(x, edge_index, W1, b1, n))
    h = jax.nn.relu(gcn_conv(h, edge_index, W2, b2, n))
    # dropout p=0.5 with training=False -> identity (eval mode)
    # mlp=False -> final layer is GCNConv
    out = gcn_conv(h, edge_index, W3, b3, n)
    return out

if __name__ == "__main__":
    import jax
    _d = setup_inputs()
    print(jax.jit(kernel)(*tuple(_d.values())))

</pallas_src>

<mosaic_0001>
#map = affine_map<(d0, d1) -> (0, 0)>
#map1 = affine_map<(d0, d1) -> (0, 0, 0)>
module attributes {stable_mosaic.version = 14 : i64} {
  func.func @_scatter_kernel(%arg0: i32, %arg1: i32, %arg2: memref<10240x128xf32, #tpu.memory_space<hbm>>, %arg3: memref<32x79x128xi32, #tpu.memory_space<hbm>>, %arg4: memref<32x79x128xi32, #tpu.memory_space<hbm>>, %arg5: memref<640x128xf32, #tpu.memory_space<hbm>>, %arg6: memref<20480x128xf32, #tpu.memory_space<hbm>>, %arg7: memref<79x128xi32, #tpu.memory_space<vmem>>, %arg8: memref<79x128xi32, #tpu.memory_space<vmem>>, %arg9: memref<128x128xf32, #tpu.memory_space<vmem>>, %arg10: memref<10240x128xf32, #tpu.memory_space<vmem_shared>>, %arg11: memref<!tpu.dma_semaphore, #tpu.memory_space<semaphore_mem>>) attributes {dimension_semantics = [#tpu.dimension_semantics<core_parallel>, #tpu.dimension_semantics<subcore_parallel>], iteration_bounds = array<i64: 2, 16>, scalar_prefetch = 0 : i64, scratch_operands = 5 : i64, tpu.core_type = #tpu.core_type<sc_vector_subcore>, window_params = [{transform_indices = #map}, {transform_indices = #map1}, {transform_indices = #map1}, {transform_indices = #map}, {transform_indices = #map}]} {
    %mul3A = arith.constant 2 : i32
    %mul3A_0 = arith.muli %arg1, %mul3A : i32
    %add3A = arith.addi %mul3A_0, %arg0 : i32
    %mul3A_1 = arith.constant 640 : i32
    %mul3A_2 = arith.muli %arg1, %mul3A_1 : i32
    "tpu.region"() ({
      %run_scoped3A = tpu.sem_alloc : memref<!tpu.dma_semaphore, #tpu.memory_space<semaphore_mem>>
      %dma_start3A = arith.constant 0 : i32
      %dma_start3A_16 = tpu.memref_slice %arg10[%mul3A_2, %dma_start3A] : memref<10240x128xf32, #tpu.memory_space<vmem_shared>> -> memref<640x128xf32, #tpu.memory_space<vmem_shared>>
      tpu.enqueue_dma source(%arg5 : memref<640x128xf32, #tpu.memory_space<hbm>>) target(%dma_start3A_16 : memref<640x128xf32, #tpu.memory_space<vmem_shared>>) target_semaphore(%run_scoped3A : memref<!tpu.dma_semaphore, #tpu.memory_space<semaphore_mem>>)
      %dma_wait3A = arith.constant 0 : i32
      %dma_wait3A_17 = tpu.memref_slice %arg10[%mul3A_2, %dma_wait3A] : memref<10240x128xf32, #tpu.memory_space<vmem_shared>> -> memref<640x128xf32, #tpu.memory_space<vmem_shared>>
      tpu.wait_dma2 semaphore(%run_scoped3A : memref<!tpu.dma_semaphore, #tpu.memory_space<semaphore_mem>>) src(%arg5 : memref<640x128xf32, #tpu.memory_space<hbm>>) dst(%dma_wait3A_17 : memref<640x128xf32, #tpu.memory_space<vmem_shared>>)
      tpu.yield
    }) : () -> ()
    "tpu.region"() ({
      %run_scoped3A = tpu.sem_alloc : memref<!tpu.dma_semaphore, #tpu.memory_space<semaphore_mem>>
      %dma_start3A = arith.constant 0 : i32
      %dma_start3A_16 = arith.constant 0 : i32
      %dma_start3A_17 = tpu.memref_slice %arg3[%add3A, %dma_start3A, %dma_start3A_16] : memref<32x79x128xi32, #tpu.memory_space<hbm>> -> memref<1x79x128xi32, #tpu.memory_space<hbm>>
      %dma_start3A_18 = tpu.memref_squeeze %dma_start3A_17 : memref<1x79x128xi32, #tpu.memory_space<hbm>> -> memref<79x128xi32, #tpu.memory_space<hbm>>
      %dma_start3A_19 = arith.constant 0 : i32
      %dma_start3A_20 = arith.constant 0 : i32
      %dma_start3A_21 = tpu.memref_slice %arg3[%add3A, %dma_start3A_19, %dma_start3A_20] : memref<32x79x128xi32, #tpu.memory_space<hbm>> -> memref<1x79x128xi32, #tpu.memory_space<hbm>>
      %dma_start3A_22 = tpu.memref_squeeze %dma_start3A_21 : memref<1x79x128xi32, #tpu.memory_space<hbm>> -> memref<79x128xi32, #tpu.memory_space<hbm>>
      tpu.enqueue_dma source(%dma_start3A_22 : memref<79x128xi32, #tpu.memory_space<hbm>>) target(%arg7 : memref<79x128xi32, #tpu.memory_space<vmem>>) target_semaphore(%run_scoped3A : memref<!tpu.dma_semaphore, #tpu.memory_space<semaphore_mem>>)
      %dma_wait3A = arith.constant 0 : i32
      %dma_wait3A_23 = arith.constant 0 : i32
      %dma_wait3A_24 = tpu.memref_slice %arg3[%add3A, %dma_wait3A, %dma_wait3A_23] : memref<32x79x128xi32, #tpu.memory_space<hbm>> -> memref<1x79x128xi32, #tpu.memory_space<hbm>>
      %dma_wait3A_25 = tpu.memref_squeeze %dma_wait3A_24 : memref<1x79x128xi32, #tpu.memory_space<hbm>> -> memref<79x128xi32, #tpu.memory_space<hbm>>
      %dma_wait3A_26 = arith.constant 0 : i32
      %dma_wait3A_27 = arith.constant 0 : i32
      %dma_wait3A_28 = tpu.memref_slice %arg3[%add3A, %dma_wait3A_26, %dma_wait3A_27] : memref<32x79x128xi32, #tpu.memory_space<hbm>> -> memref<1x79x128xi32, #tpu.memory_space<hbm>>
      %dma_wait3A_29 = tpu.memref_squeeze %dma_wait3A_28 : memref<1x79x128xi32, #tpu.memory_space<hbm>> -> memref<79x128xi32, #tpu.memory_space<hbm>>
      tpu.wait_dma2 semaphore(%run_scoped3A : memref<!tpu.dma_semaphore, #tpu.memory_space<semaphore_mem>>) src(%dma_wait3A_29 : memref<79x128xi32, #tpu.memory_space<hbm>>) dst(%arg7 : memref<79x128xi32, #tpu.memory_space<vmem>>)
      tpu.yield
    }) : () -> ()
    "tpu.region"() ({
      %run_scoped3A = tpu.sem_alloc : memref<!tpu.dma_semaphore, #tpu.memory_space<semaphore_mem>>
      %dma_start3A = arith.constant 0 : i32
      %dma_start3A_16 = arith.constant 0 : i32
      %dma_start3A_17 = tpu.memref_slice %arg4[%add3A, %dma_start3A, %dma_start3A_16] : memref<32x79x128xi32, #tpu.memory_space<hbm>> -> memref<1x79x128xi32, #tpu.memory_space<hbm>>
      %dma_start3A_18 = tpu.memref_squeeze %dma_start3A_17 : memref<1x79x128xi32, #tpu.memory_space<hbm>> -> memref<79x128xi32, #tpu.memory_space<hbm>>
      %dma_start3A_19 = arith.constant 0 : i32
      %dma_start3A_20 = arith.constant 0 : i32
      %dma_start3A_21 = tpu.memref_slice %arg4[%add3A, %dma_start3A_19, %dma_start3A_20] : memref<32x79x128xi32, #tpu.memory_space<hbm>> -> memref<1x79x128xi32, #tpu.memory_space<hbm>>
      %dma_start3A_22 = tpu.memref_squeeze %dma_start3A_21 : memref<1x79x128xi32, #tpu.memory_space<hbm>> -> memref<79x128xi32, #tpu.memory_space<hbm>>
      tpu.enqueue_dma source(%dma_start3A_22 : memref<79x128xi32, #tpu.memory_space<hbm>>) target(%arg8 : memref<79x128xi32, #tpu.memory_space<vmem>>) target_semaphore(%run_scoped3A : memref<!tpu.dma_semaphore, #tpu.memory_space<semaphore_mem>>)
      %dma_wait3A = arith.constant 0 : i32
      %dma_wait3A_23 = arith.constant 0 : i32
      %dma_wait3A_24 = tpu.memref_slice %arg4[%add3A, %dma_wait3A, %dma_wait3A_23] : memref<32x79x128xi32, #tpu.memory_space<hbm>> -> memref<1x79x128xi32, #tpu.memory_space<hbm>>
      %dma_wait3A_25 = tpu.memref_squeeze %dma_wait3A_24 : memref<1x79x128xi32, #tpu.memory_space<hbm>> -> memref<79x128xi32, #tpu.memory_space<hbm>>
      %dma_wait3A_26 = arith.constant 0 : i32
      %dma_wait3A_27 = arith.constant 0 : i32
      %dma_wait3A_28 = tpu.memref_slice %arg4[%add3A, %dma_wait3A_26, %dma_wait3A_27] : memref<32x79x128xi32, #tpu.memory_space<hbm>> -> memref<1x79x128xi32, #tpu.memory_space<hbm>>
      %dma_wait3A_29 = tpu.memref_squeeze %dma_wait3A_28 : memref<1x79x128xi32, #tpu.memory_space<hbm>> -> memref<79x128xi32, #tpu.memory_space<hbm>>
      tpu.wait_dma2 semaphore(%run_scoped3A : memref<!tpu.dma_semaphore, #tpu.memory_space<semaphore_mem>>) src(%dma_wait3A_29 : memref<79x128xi32, #tpu.memory_space<hbm>>) dst(%arg8 : memref<79x128xi32, #tpu.memory_space<vmem>>)
      tpu.yield
    }) : () -> ()
    %barrier3A = arith.constant 0 : index
    tpu.barrier barrier_id(%barrier3A)
    %scan3A = arith.constant 0 : i32
    %scan3A_3 = arith.constant 0 : i32
    %scan3A_4 = arith.constant 79 : i32
    %scan3A_5 = arith.addi %scan3A_3, %scan3A_4 : i32
    %scan3A_6 = arith.constant 1 : i32
    scf.for %scan3A_16 = %scan3A_3 to %scan3A_5 step %scan3A_6  : i32 {
      %dma_start3A = arith.constant 0 : i32
      %dma_start3A_17 = tpu.memref_slice %arg7[%scan3A_16, %dma_start3A] : memref<79x128xi32, #tpu.memory_space<vmem>> -> memref<1x128xi32, #tpu.memory_space<vmem>>
      %dma_start3A_18 = tpu.memref_squeeze %dma_start3A_17 : memref<1x128xi32, #tpu.memory_space<vmem>> -> memref<128xi32, #tpu.memory_space<vmem>>
      %dma_start3A_19 = arith.constant 0 : i32
      %dma_start3A_20 = arith.constant 0 : i32
      %dma_start3A_21 = tpu.memref_slice %arg2[%dma_start3A_19, %dma_start3A_20] : memref<10240x128xf32, #tpu.memory_space<hbm>> -> memref<10240x128xf32, #tpu.memory_space<hbm>>
      tpu.enqueue_indirect_dma source(%dma_start3A_21 : memref<10240x128xf32, #tpu.memory_space<hbm>>) target(%arg9 : memref<128x128xf32, #tpu.memory_space<vmem>>) offsets(%dma_start3A_18 : memref<128xi32, #tpu.memory_space<vmem>>) semaphore(%arg11 : memref<!tpu.dma_semaphore, #tpu.memory_space<semaphore_mem>>)
      %dma_wait3A = arith.constant 0 : i32
      %dma_wait3A_22 = tpu.memref_slice %arg7[%scan3A_16, %dma_wait3A] : memref<79x128xi32, #tpu.memory_space<vmem>> -> memref<1x128xi32, #tpu.memory_space<vmem>>
      %dma_wait3A_23 = tpu.memref_squeeze %dma_wait3A_22 : memref<1x128xi32, #tpu.memory_space<vmem>> -> memref<128xi32, #tpu.memory_space<vmem>>
      %dma_wait3A_24 = arith.constant 0 : i32
      %dma_wait3A_25 = arith.constant 0 : i32
      %dma_wait3A_26 = tpu.memref_slice %arg2[%dma_wait3A_24, %dma_wait3A_25] : memref<10240x128xf32, #tpu.memory_space<hbm>> -> memref<10240x128xf32, #tpu.memory_space<hbm>>
      tpu.wait_indirect_dma semaphore(%arg11 : memref<!tpu.dma_semaphore, #tpu.memory_space<semaphore_mem>>) src(%dma_wait3A_26 : memref<10240x128xf32, #tpu.memory_space<hbm>>) dst(%arg9 : memref<128x128xf32, #tpu.memory_space<vmem>>)
      "tpu.region"() ({
        %run_scoped3A = tpu.sem_alloc : memref<!tpu.dma_semaphore, #tpu.memory_space<semaphore_mem>>
        %dma_start3A_27 = arith.constant 0 : i32
        %dma_start3A_28 = tpu.memref_slice %arg8[%scan3A_16, %dma_start3A_27] : memref<79x128xi32, #tpu.memory_space<vmem>> -> memref<1x128xi32, #tpu.memory_space<vmem>>
        %dma_start3A_29 = tpu.memref_squeeze %dma_start3A_28 : memref<1x128xi32, #tpu.memory_space<vmem>> -> memref<128xi32, #tpu.memory_space<vmem>>
        %dma_start3A_30 = arith.constant 0 : i32
        %dma_start3A_31 = arith.constant 0 : i32
        %dma_start3A_32 = tpu.memref_slice %arg10[%dma_start3A_30, %dma_start3A_31] : memref<10240x128xf32, #tpu.memory_space<vmem_shared>> -> memref<10240x128xf32, #tpu.memory_space<vmem_shared>>
        tpu.enqueue_indirect_dma source(%arg9 : memref<128x128xf32, #tpu.memory_space<vmem>>) target(%dma_start3A_32 : memref<10240x128xf32, #tpu.memory_space<vmem_shared>>) offsets(%dma_start3A_29 : memref<128xi32, #tpu.memory_space<vmem>>) semaphore(%run_scoped3A : memref<!tpu.dma_semaphore, #tpu.memory_space<semaphore_mem>>) {add = true}
        %dma_wait3A_33 = arith.constant 0 : i32
        %dma_wait3A_34 = tpu.memref_slice %arg8[%scan3A_16, %dma_wait3A_33] : memref<79x128xi32, #tpu.memory_space<vmem>> -> memref<1x128xi32, #tpu.memory_space<vmem>>
        %dma_wait3A_35 = tpu.memref_squeeze %dma_wait3A_34 : memref<1x128xi32, #tpu.memory_space<vmem>> -> memref<128xi32, #tpu.memory_space<vmem>>
        %dma_wait3A_36 = arith.constant 0 : i32
        %dma_wait3A_37 = arith.constant 0 : i32
        %dma_wait3A_38 = tpu.memref_slice %arg10[%dma_wait3A_36, %dma_wait3A_37] : memref<10240x128xf32, #tpu.memory_space<vmem_shared>> -> memref<10240x128xf32, #tpu.memory_space<vmem_shared>>
        tpu.wait_indirect_dma semaphore(%run_scoped3A : memref<!tpu.dma_semaphore, #tpu.memory_space<semaphore_mem>>) src(%arg9 : memref<128x128xf32, #tpu.memory_space<vmem>>) dst(%dma_wait3A_38 : memref<10240x128xf32, #tpu.memory_space<vmem_shared>>)
        tpu.yield
      }) : () -> ()
    }
    %scan3A_7 = arith.constant 79 : i32
    %barrier3A_8 = arith.constant 0 : index
    tpu.barrier barrier_id(%barrier3A_8)
    %mul3A_9 = arith.constant 640 : i32
    %mul3A_10 = arith.muli %arg1, %mul3A_9 : i32
    %mul3A_11 = arith.constant 10240 : i32
    %mul3A_12 = arith.muli %arg0, %mul3A_11 : i32
    %mul3A_13 = arith.constant 640 : i32
    %mul3A_14 = arith.muli %arg1, %mul3A_13 : i32
    %add3A_15 = arith.addi %mul3A_12, %mul3A_14 : i32
    "tpu.region"() ({
      %run_scoped3A = tpu.sem_alloc : memref<!tpu.dma_semaphore, #tpu.memory_space<semaphore_mem>>
      %dma_start3A = arith.constant 0 : i32
      %dma_start3A_16 = tpu.memref_slice %arg6[%add3A_15, %dma_start3A] : memref<20480x128xf32, #tpu.memory_space<hbm>> -> memref<640x128xf32, #tpu.memory_space<hbm>>
      %dma_start3A_17 = arith.constant 0 : i32
      %dma_start3A_18 = tpu.memref_slice %arg10[%mul3A_10, %dma_start3A_17] : memref<10240x128xf32, #tpu.memory_space<vmem_shared>> -> memref<640x128xf32, #tpu.memory_space<vmem_shared>>
      tpu.enqueue_dma source(%dma_start3A_18 : memref<640x128xf32, #tpu.memory_space<vmem_shared>>) target(%dma_start3A_16 : memref<640x128xf32, #tpu.memory_space<hbm>>) target_semaphore(%run_scoped3A : memref<!tpu.dma_semaphore, #tpu.memory_space<semaphore_mem>>)
      %dma_wait3A = arith.constant 0 : i32
      %dma_wait3A_19 = tpu.memref_slice %arg6[%add3A_15, %dma_wait3A] : memref<20480x128xf32, #tpu.memory_space<hbm>> -> memref<640x128xf32, #tpu.memory_space<hbm>>
      %dma_wait3A_20 = arith.constant 0 : i32
      %dma_wait3A_21 = tpu.memref_slice %arg10[%mul3A_10, %dma_wait3A_20] : memref<10240x128xf32, #tpu.memory_space<vmem_shared>> -> memref<640x128xf32, #tpu.memory_space<vmem_shared>>
      tpu.wait_dma2 semaphore(%run_scoped3A : memref<!tpu.dma_semaphore, #tpu.memory_space<semaphore_mem>>) src(%dma_wait3A_21 : memref<640x128xf32, #tpu.memory_space<vmem_shared>>) dst(%dma_wait3A_19 : memref<640x128xf32, #tpu.memory_space<hbm>>)
      tpu.yield
    }) : () -> ()
    return
  }
}

#map = affine_map<(d0, d1) -> (0, 0, 0)>
#map1 = affine_map<(d0, d1) -> (0, 0)>
module attributes {stable_mosaic.version = 14 : i64} {
  func.func @_deg_kernel(%arg0: i32, %arg1: i32, %arg2: memref<32x79x128xi32, #tpu.memory_space<hbm>>, %arg3: memref<128x128xf32, #tpu.memory_space<hbm>>, %arg4: memref<640x128xf32, #tpu.memory_space<hbm>>, %arg5: memref<20480x128xf32, #tpu.memory_space<hbm>>, %arg6: memref<79x128xi32, #tpu.memory_space<vmem>>, %arg7: memref<128x128xf32, #tpu.memory_space<vmem>>, %arg8: memref<10240x128xf32, #tpu.memory_space<vmem_shared>>, %arg9: memref<!tpu.dma_semaphore, #tpu.memory_space<semaphore_mem>>) attributes {dimension_semantics = [#tpu.dimension_semantics<core_parallel>, #tpu.dimension_semantics<subcore_parallel>], iteration_bounds = array<i64: 2, 16>, scalar_prefetch = 0 : i64, scratch_operands = 4 : i64, tpu.core_type = #tpu.core_type<sc_vector_subcore>, window_params = [{transform_indices = #map}, {transform_indices = #map1}, {transform_indices = #map1}, {transform_indices = #map1}]} {
    %mul3A = arith.constant 2 : i32
    %mul3A_0 = arith.muli %arg1, %mul3A : i32
    %add3A = arith.addi %mul3A_0, %arg0 : i32
    %mul3A_1 = arith.constant 640 : i32
    %mul3A_2 = arith.muli %arg1, %mul3A_1 : i32
    "tpu.region"() ({
      %run_scoped3A = tpu.sem_alloc : memref<!tpu.dma_semaphore, #tpu.memory_space<semaphore_mem>>
      %dma_start3A = arith.constant 0 : i32
      %dma_start3A_22 = tpu.memref_slice %arg8[%mul3A_2, %dma_start3A] : memref<10240x128xf32, #tpu.memory_space<vmem_shared>> -> memref<640x128xf32, #tpu.memory_space<vmem_shared>>
      tpu.enqueue_dma source(%arg4 : memref<640x128xf32, #tpu.memory_space<hbm>>) target(%dma_start3A_22 : memref<640x128xf32, #tpu.memory_space<vmem_shared>>) target_semaphore(%run_scoped3A : memref<!tpu.dma_semaphore, #tpu.memory_space<semaphore_mem>>)
      %dma_wait3A = arith.constant 0 : i32
      %dma_wait3A_23 = tpu.memref_slice %arg8[%mul3A_2, %dma_wait3A] : memref<10240x128xf32, #tpu.memory_space<vmem_shared>> -> memref<640x128xf32, #tpu.memory_space<vmem_shared>>
      tpu.wait_dma2 semaphore(%run_scoped3A : memref<!tpu.dma_semaphore, #tpu.memory_space<semaphore_mem>>) src(%arg4 : memref<640x128xf32, #tpu.memory_space<hbm>>) dst(%dma_wait3A_23 : memref<640x128xf32, #tpu.memory_space<vmem_shared>>)
      tpu.yield
    }) : () -> ()
    "tpu.region"() ({
      %run_scoped3A = tpu.sem_alloc : memref<!tpu.dma_semaphore, #tpu.memory_space<semaphore_mem>>
      tpu.enqueue_dma source(%arg3 : memref<128x128xf32, #tpu.memory_space<hbm>>) target(%arg7 : memref<128x128xf32, #tpu.memory_space<vmem>>) target_semaphore(%run_scoped3A : memref<!tpu.dma_semaphore, #tpu.memory_space<semaphore_mem>>)
      tpu.wait_dma2 semaphore(%run_scoped3A : memref<!tpu.dma_semaphore, #tpu.memory_space<semaphore_mem>>) src(%arg3 : memref<128x128xf32, #tpu.memory_space<hbm>>) dst(%arg7 : memref<128x128xf32, #tpu.memory_space<vmem>>)
      tpu.yield
    }) : () -> ()
    "tpu.region"() ({
      %run_scoped3A = tpu.sem_alloc : memref<!tpu.dma_semaphore, #tpu.memory_space<semaphore_mem>>
      %dma_start3A = arith.constant 0 : i32
      %dma_start3A_22 = arith.constant 0 : i32
      %dma_start3A_23 = tpu.memref_slice %arg2[%add3A, %dma_start3A, %dma_start3A_22] : memref<32x79x128xi32, #tpu.memory_space<hbm>> -> memref<1x79x128xi32, #tpu.memory_space<hbm>>
      %dma_start3A_24 = tpu.memref_squeeze %dma_start3A_23 : memref<1x79x128xi32, #tpu.memory_space<hbm>> -> memref<79x128xi32, #tpu.memory_space<hbm>>
      %dma_start3A_25 = arith.constant 0 : i32
      %dma_start3A_26 = arith.constant 0 : i32
      %dma_start3A_27 = tpu.memref_slice %arg2[%add3A, %dma_start3A_25, %dma_start3A_26] : memref<32x79x128xi32, #tpu.memory_space<hbm>> -> memref<1x79x128xi32, #tpu.memory_space<hbm>>
      %dma_start3A_28 = tpu.memref_squeeze %dma_start3A_27 : memref<1x79x128xi32, #tpu.memory_space<hbm>> -> memref<79x128xi32, #tpu.memory_space<hbm>>
      tpu.enqueue_dma source(%dma_start3A_28 : memref<79x128xi32, #tpu.memory_space<hbm>>) target(%arg6 : memref<79x128xi32, #tpu.memory_space<vmem>>) target_semaphore(%run_scoped3A : memref<!tpu.dma_semaphore, #tpu.memory_space<semaphore_mem>>)
      %dma_wait3A = arith.constant 0 : i32
      %dma_wait3A_29 = arith.constant 0 : i32
      %dma_wait3A_30 = tpu.memref_slice %arg2[%add3A, %dma_wait3A, %dma_wait3A_29] : memref<32x79x128xi32, #tpu.memory_space<hbm>> -> memref<1x79x128xi32, #tpu.memory_space<hbm>>
      %dma_wait3A_31 = tpu.memref_squeeze %dma_wait3A_30 : memref<1x79x128xi32, #tpu.memory_space<hbm>> -> memref<79x128xi32, #tpu.memory_space<hbm>>
      %dma_wait3A_32 = arith.constant 0 : i32
      %dma_wait3A_33 = arith.constant 0 : i32
      %dma_wait3A_34 = tpu.memref_slice %arg2[%add3A, %dma_wait3A_32, %dma_wait3A_33] : memref<32x79x128xi32, #tpu.memory_space<hbm>> -> memref<1x79x128xi32, #tpu.memory_space<hbm>>
      %dma_wait3A_35 = tpu.memref_squeeze %dma_wait3A_34 : memref<1x79x128xi32, #tpu.memory_space<hbm>> -> memref<79x128xi32, #tpu.memory_space<hbm>>
      tpu.wait_dma2 semaphore(%run_scoped3A : memref<!tpu.dma_semaphore, #tpu.memory_space<semaphore_mem>>) src(%dma_wait3A_35 : memref<79x128xi32, #tpu.memory_space<hbm>>) dst(%arg6 : memref<79x128xi32, #tpu.memory_space<vmem>>)
      tpu.yield
    }) : () -> ()
    %barrier3A = arith.constant 0 : index
    tpu.barrier barrier_id(%barrier3A)
    %scan3A = arith.constant 0 : i32
    %scan3A_3 = arith.constant 0 : i32
    %scan3A_4 = arith.constant 79 : i32
    %scan3A_5 = arith.addi %scan3A_3, %scan3A_4 : i32
    %scan3A_6 = arith.constant 1 : i32
    scf.for %scan3A_22 = %scan3A_3 to %scan3A_5 step %scan3A_6  : i32 {
      %dma_start3A = arith.constant 0 : i32
      %dma_start3A_23 = tpu.memref_slice %arg6[%scan3A_22, %dma_start3A] : memref<79x128xi32, #tpu.memory_space<vmem>> -> memref<1x128xi32, #tpu.memory_space<vmem>>
      %dma_start3A_24 = tpu.memref_squeeze %dma_start3A_23 : memref<1x128xi32, #tpu.memory_space<vmem>> -> memref<128xi32, #tpu.memory_space<vmem>>
      %dma_start3A_25 = arith.constant 0 : i32
      %dma_start3A_26 = arith.constant 0 : i32
      %dma_start3A_27 = tpu.memref_slice %arg8[%dma_start3A_25, %dma_start3A_26] : memref<10240x128xf32, #tpu.memory_space<vmem_shared>> -> memref<10240x128xf32, #tpu.memory_space<vmem_shared>>
      tpu.enqueue_indirect_dma source(%arg7 : memref<128x128xf32, #tpu.memory_space<vmem>>) target(%dma_start3A_27 : memref<10240x128xf32, #tpu.memory_space<vmem_shared>>) offsets(%dma_start3A_24 : memref<128xi32, #tpu.memory_space<vmem>>) semaphore(%arg9 : memref<!tpu.dma_semaphore, #tpu.memory_space<semaphore_mem>>) {add = true}
      %ge3A = arith.constant 4 : i32
      %ge3A_28 = arith.cmpi sge, %scan3A_22, %ge3A : i32
      %convert_element_type3A = arith.extui %ge3A_28 : i1 to i32
      %cond3A = arith.constant 0 : i32
      %cond3A_29 = arith.cmpi ne, %convert_element_type3A, %cond3A : i32
      scf.if %cond3A_29 {
        %dma_wait3A = arith.constant 0 : i32
        %dma_wait3A_30 = tpu.memref_slice %arg6[%scan3A_22, %dma_wait3A] : memref<79x128xi32, #tpu.memory_space<vmem>> -> memref<1x128xi32, #tpu.memory_space<vmem>>
        %dma_wait3A_31 = tpu.memref_squeeze %dma_wait3A_30 : memref<1x128xi32, #tpu.memory_space<vmem>> -> memref<128xi32, #tpu.memory_space<vmem>>
        %dma_wait3A_32 = arith.constant 0 : i32
        %dma_wait3A_33 = arith.constant 0 : i32
        %dma_wait3A_34 = tpu.memref_slice %arg8[%dma_wait3A_32, %dma_wait3A_33] : memref<10240x128xf32, #tpu.memory_space<vmem_shared>> -> memref<10240x128xf32, #tpu.memory_space<vmem_shared>>
        tpu.wait_indirect_dma semaphore(%arg9 : memref<!tpu.dma_semaphore, #tpu.memory_space<semaphore_mem>>) src(%arg7 : memref<128x128xf32, #tpu.memory_space<vmem>>) dst(%dma_wait3A_34 : memref<10240x128xf32, #tpu.memory_space<vmem_shared>>)
      } else {
      }
    }
    %scan3A_7 = arith.constant 79 : i32
    %scan3A_8 = arith.constant 0 : i32
    %scan3A_9 = arith.constant 0 : i32
    %scan3A_10 = arith.constant 4 : i32
    %scan3A_11 = arith.addi %scan3A_9, %scan3A_10 : i32
    %scan3A_12 = arith.constant 1 : i32
    scf.for %scan3A_22 = %scan3A_9 to %scan3A_11 step %scan3A_12  : i32 {
      %dma_wait3A = arith.constant 0 : i32
      %dma_wait3A_23 = tpu.memref_slice %arg6[%scan3A_22, %dma_wait3A] : memref<79x128xi32, #tpu.memory_space<vmem>> -> memref<1x128xi32, #tpu.memory_space<vmem>>
      %dma_wait3A_24 = tpu.memref_squeeze %dma_wait3A_23 : memref<1x128xi32, #tpu.memory_space<vmem>> -> memref<128xi32, #tpu.memory_space<vmem>>
      %dma_wait3A_25 = arith.constant 0 : i32
      %dma_wait3A_26 = arith.constant 0 : i32
      %dma_wait3A_27 = tpu.memref_slice %arg8[%dma_wait3A_25, %dma_wait3A_26] : memref<10240x128xf32, #tpu.memory_space<vmem_shared>> -> memref<10240x128xf32, #tpu.memory_space<vmem_shared>>
      tpu.wait_indirect_dma semaphore(%arg9 : memref<!tpu.dma_semaphore, #tpu.memory_space<semaphore_mem>>) src(%arg7 : memref<128x128xf32, #tpu.memory_space<vmem>>) dst(%dma_wait3A_27 : memref<10240x128xf32, #tpu.memory_space<vmem_shared>>)
    }
    %scan3A_13 = arith.constant 4 : i32
    %barrier3A_14 = arith.constant 0 : index
    tpu.barrier barrier_id(%barrier3A_14)
    %mul3A_15 = arith.constant 640 : i32
    %mul3A_16 = arith.muli %arg1, %mul3A_15 : i32
    %mul3A_17 = arith.constant 10240 : i32
    %mul3A_18 = arith.muli %arg0, %mul3A_17 : i32
    %mul3A_19 = arith.constant 640 : i32
    %mul3A_20 = arith.muli %arg1, %mul3A_19 : i32
    %add3A_21 = arith.addi %mul3A_18, %mul3A_20 : i32
    "tpu.region"() ({
      %run_scoped3A = tpu.sem_alloc : memref<!tpu.dma_semaphore, #tpu.memory_space<semaphore_mem>>
      %dma_start3A = arith.constant 0 : i32
      %dma_start3A_22 = tpu.memref_slice %arg5[%add3A_21, %dma_start3A] : memref<20480x128xf32, #tpu.memory_space<hbm>> -> memref<640x128xf32, #tpu.memory_space<hbm>>
      %dma_start3A_23 = arith.constant 0 : i32
      %dma_start3A_24 = tpu.memref_slice %arg8[%mul3A_16, %dma_start3A_23] : memref<10240x128xf32, #tpu.memory_space<vmem_shared>> -> memref<640x128xf32, #tpu.memory_space<vmem_shared>>
      tpu.enqueue_dma source(%dma_start3A_24 : memref<640x128xf32, #tpu.memory_space<vmem_shared>>) target(%dma_start3A_22 : memref<640x128xf32, #tpu.memory_space<hbm>>) target_semaphore(%run_scoped3A : memref<!tpu.dma_semaphore, #tpu.memory_space<semaphore_mem>>)
      %dma_wait3A = arith.constant 0 : i32
      %dma_wait3A_25 = tpu.memref_slice %arg5[%add3A_21, %dma_wait3A] : memref<20480x128xf32, #tpu.memory_space<hbm>> -> memref<640x128xf32, #tpu.memory_space<hbm>>
      %dma_wait3A_26 = arith.constant 0 : i32
      %dma_wait3A_27 = tpu.memref_slice %arg8[%mul3A_16, %dma_wait3A_26] : memref<10240x128xf32, #tpu.memory_space<vmem_shared>> -> memref<640x128xf32, #tpu.memory_space<vmem_shared>>
      tpu.wait_dma2 semaphore(%run_scoped3A : memref<!tpu.dma_semaphore, #tpu.memory_space<semaphore_mem>>) src(%dma_wait3A_27 : memref<640x128xf32, #tpu.memory_space<vmem_shared>>) dst(%dma_wait3A_25 : memref<640x128xf32, #tpu.memory_space<hbm>>)
      tpu.yield
    }) : () -> ()
    return
  }
}

#map = affine_map<(d0, d1) -> (0, 0)>
#map1 = affine_map<(d0, d1) -> (0, 0, 0)>
module attributes {stable_mosaic.version = 14 : i64} {
  func.func @_scatter_kernel(%arg0: i32, %arg1: i32, %arg2: memref<10240x128xf32, #tpu.memory_space<hbm>>, %arg3: memref<32x79x128xi32, #tpu.memory_space<hbm>>, %arg4: memref<32x79x128xi32, #tpu.memory_space<hbm>>, %arg5: memref<640x128xf32, #tpu.memory_space<hbm>>, %arg6: memref<20480x128xf32, #tpu.memory_space<hbm>>, %arg7: memref<79x128xi32, #tpu.memory_space<vmem>>, %arg8: memref<79x128xi32, #tpu.memory_space<vmem>>, %arg9: memref<128x128xf32, #tpu.memory_space<vmem>>, %arg10: memref<10240x128xf32, #tpu.memory_space<vmem_shared>>, %arg11: memref<!tpu.dma_semaphore, #tpu.memory_space<semaphore_mem>>) attributes {dimension_semantics = [#tpu.dimension_semantics<core_parallel>, #tpu.dimension_semantics<subcore_parallel>], iteration_bounds = array<i64: 2, 16>, scalar_prefetch = 0 : i64, scratch_operands = 5 : i64, tpu.core_type = #tpu.core_type<sc_vector_subcore>, window_params = [{transform_indices = #map}, {transform_indices = #map1}, {transform_indices = #map1}, {transform_indices = #map}, {transform_indices = #map}]} {
    %mul3A = arith.constant 2 : i32
    %mul3A_0 = arith.muli %arg1, %mul3A : i32
    %add3A = arith.addi %mul3A_0, %arg0 : i32
    %mul3A_1 = arith.constant 640 : i32
    %mul3A_2 = arith.muli %arg1, %mul3A_1 : i32
    "tpu.region"() ({
      %run_scoped3A = tpu.sem_alloc : memref<!tpu.dma_semaphore, #tpu.memory_space<semaphore_mem>>
      %dma_start3A = arith.constant 0 : i32
      %dma_start3A_16 = tpu.memref_slice %arg10[%mul3A_2, %dma_start3A] : memref<10240x128xf32, #tpu.memory_space<vmem_shared>> -> memref<640x128xf32, #tpu.memory_space<vmem_shared>>
      tpu.enqueue_dma source(%arg5 : memref<640x128xf32, #tpu.memory_space<hbm>>) target(%dma_start3A_16 : memref<640x128xf32, #tpu.memory_space<vmem_shared>>) target_semaphore(%run_scoped3A : memref<!tpu.dma_semaphore, #tpu.memory_space<semaphore_mem>>)
      %dma_wait3A = arith.constant 0 : i32
      %dma_wait3A_17 = tpu.memref_slice %arg10[%mul3A_2, %dma_wait3A] : memref<10240x128xf32, #tpu.memory_space<vmem_shared>> -> memref<640x128xf32, #tpu.memory_space<vmem_shared>>
      tpu.wait_dma2 semaphore(%run_scoped3A : memref<!tpu.dma_semaphore, #tpu.memory_space<semaphore_mem>>) src(%arg5 : memref<640x128xf32, #tpu.memory_space<hbm>>) dst(%dma_wait3A_17 : memref<640x128xf32, #tpu.memory_space<vmem_shared>>)
      tpu.yield
    }) : () -> ()
    "tpu.region"() ({
      %run_scoped3A = tpu.sem_alloc : memref<!tpu.dma_semaphore, #tpu.memory_space<semaphore_mem>>
      %dma_start3A = arith.constant 0 : i32
      %dma_start3A_16 = arith.constant 0 : i32
      %dma_start3A_17 = tpu.memref_slice %arg3[%add3A, %dma_start3A, %dma_start3A_16] : memref<32x79x128xi32, #tpu.memory_space<hbm>> -> memref<1x79x128xi32, #tpu.memory_space<hbm>>
      %dma_start3A_18 = tpu.memref_squeeze %dma_start3A_17 : memref<1x79x128xi32, #tpu.memory_space<hbm>> -> memref<79x128xi32, #tpu.memory_space<hbm>>
      %dma_start3A_19 = arith.constant 0 : i32
      %dma_start3A_20 = arith.constant 0 : i32
      %dma_start3A_21 = tpu.memref_slice %arg3[%add3A, %dma_start3A_19, %dma_start3A_20] : memref<32x79x128xi32, #tpu.memory_space<hbm>> -> memref<1x79x128xi32, #tpu.memory_space<hbm>>
      %dma_start3A_22 = tpu.memref_squeeze %dma_start3A_21 : memref<1x79x128xi32, #tpu.memory_space<hbm>> -> memref<79x128xi32, #tpu.memory_space<hbm>>
      tpu.enqueue_dma source(%dma_start3A_22 : memref<79x128xi32, #tpu.memory_space<hbm>>) target(%arg7 : memref<79x128xi32, #tpu.memory_space<vmem>>) target_semaphore(%run_scoped3A : memref<!tpu.dma_semaphore, #tpu.memory_space<semaphore_mem>>)
      %dma_wait3A = arith.constant 0 : i32
      %dma_wait3A_23 = arith.constant 0 : i32
      %dma_wait3A_24 = tpu.memref_slice %arg3[%add3A, %dma_wait3A, %dma_wait3A_23] : memref<32x79x128xi32, #tpu.memory_space<hbm>> -> memref<1x79x128xi32, #tpu.memory_space<hbm>>
      %dma_wait3A_25 = tpu.memref_squeeze %dma_wait3A_24 : memref<1x79x128xi32, #tpu.memory_space<hbm>> -> memref<79x128xi32, #tpu.memory_space<hbm>>
      %dma_wait3A_26 = arith.constant 0 : i32
      %dma_wait3A_27 = arith.constant 0 : i32
      %dma_wait3A_28 = tpu.memref_slice %arg3[%add3A, %dma_wait3A_26, %dma_wait3A_27] : memref<32x79x128xi32, #tpu.memory_space<hbm>> -> memref<1x79x128xi32, #tpu.memory_space<hbm>>
      %dma_wait3A_29 = tpu.memref_squeeze %dma_wait3A_28 : memref<1x79x128xi32, #tpu.memory_space<hbm>> -> memref<79x128xi32, #tpu.memory_space<hbm>>
      tpu.wait_dma2 semaphore(%run_scoped3A : memref<!tpu.dma_semaphore, #tpu.memory_space<semaphore_mem>>) src(%dma_wait3A_29 : memref<79x128xi32, #tpu.memory_space<hbm>>) dst(%arg7 : memref<79x128xi32, #tpu.memory_space<vmem>>)
      tpu.yield
    }) : () -> ()
    "tpu.region"() ({
      %run_scoped3A = tpu.sem_alloc : memref<!tpu.dma_semaphore, #tpu.memory_space<semaphore_mem>>
      %dma_start3A = arith.constant 0 : i32
      %dma_start3A_16 = arith.constant 0 : i32
      %dma_start3A_17 = tpu.memref_slice %arg4[%add3A, %dma_start3A, %dma_start3A_16] : memref<32x79x128xi32, #tpu.memory_space<hbm>> -> memref<1x79x128xi32, #tpu.memory_space<hbm>>
      %dma_start3A_18 = tpu.memref_squeeze %dma_start3A_17 : memref<1x79x128xi32, #tpu.memory_space<hbm>> -> memref<79x128xi32, #tpu.memory_space<hbm>>
      %dma_start3A_19 = arith.constant 0 : i32
      %dma_start3A_20 = arith.constant 0 : i32
      %dma_start3A_21 = tpu.memref_slice %arg4[%add3A, %dma_start3A_19, %dma_start3A_20] : memref<32x79x128xi32, #tpu.memory_space<hbm>> -> memref<1x79x128xi32, #tpu.memory_space<hbm>>
      %dma_start3A_22 = tpu.memref_squeeze %dma_start3A_21 : memref<1x79x128xi32, #tpu.memory_space<hbm>> -> memref<79x128xi32, #tpu.memory_space<hbm>>
      tpu.enqueue_dma source(%dma_start3A_22 : memref<79x128xi32, #tpu.memory_space<hbm>>) target(%arg8 : memref<79x128xi32, #tpu.memory_space<vmem>>) target_semaphore(%run_scoped3A : memref<!tpu.dma_semaphore, #tpu.memory_space<semaphore_mem>>)
      %dma_wait3A = arith.constant 0 : i32
      %dma_wait3A_23 = arith.constant 0 : i32
      %dma_wait3A_24 = tpu.memref_slice %arg4[%add3A, %dma_wait3A, %dma_wait3A_23] : memref<32x79x128xi32, #tpu.memory_space<hbm>> -> memref<1x79x128xi32, #tpu.memory_space<hbm>>
      %dma_wait3A_25 = tpu.memref_squeeze %dma_wait3A_24 : memref<1x79x128xi32, #tpu.memory_space<hbm>> -> memref<79x128xi32, #tpu.memory_space<hbm>>
      %dma_wait3A_26 = arith.constant 0 : i32
      %dma_wait3A_27 = arith.constant 0 : i32
      %dma_wait3A_28 = tpu.memref_slice %arg4[%add3A, %dma_wait3A_26, %dma_wait3A_27] : memref<32x79x128xi32, #tpu.memory_space<hbm>> -> memref<1x79x128xi32, #tpu.memory_space<hbm>>
      %dma_wait3A_29 = tpu.memref_squeeze %dma_wait3A_28 : memref<1x79x128xi32, #tpu.memory_space<hbm>> -> memref<79x128xi32, #tpu.memory_space<hbm>>
      tpu.wait_dma2 semaphore(%run_scoped3A : memref<!tpu.dma_semaphore, #tpu.memory_space<semaphore_mem>>) src(%dma_wait3A_29 : memref<79x128xi32, #tpu.memory_space<hbm>>) dst(%arg8 : memref<79x128xi32, #tpu.memory_space<vmem>>)
      tpu.yield
    }) : () -> ()
    %barrier3A = arith.constant 0 : index
    tpu.barrier barrier_id(%barrier3A)
    %scan3A = arith.constant 0 : i32
    %scan3A_3 = arith.constant 0 : i32
    %scan3A_4 = arith.constant 79 : i32
    %scan3A_5 = arith.addi %scan3A_3, %scan3A_4 : i32
    %scan3A_6 = arith.constant 1 : i32
    scf.for %scan3A_16 = %scan3A_3 to %scan3A_5 step %scan3A_6  : i32 {
      %dma_start3A = arith.constant 0 : i32
      %dma_start3A_17 = tpu.memref_slice %arg7[%scan3A_16, %dma_start3A] : memref<79x128xi32, #tpu.memory_space<vmem>> -> memref<1x128xi32, #tpu.memory_space<vmem>>
      %dma_start3A_18 = tpu.memref_squeeze %dma_start3A_17 : memref<1x128xi32, #tpu.memory_space<vmem>> -> memref<128xi32, #tpu.memory_space<vmem>>
      %dma_start3A_19 = arith.constant 0 : i32
      %dma_start3A_20 = arith.constant 0 : i32
      %dma_start3A_21 = tpu.memref_slice %arg2[%dma_start3A_19, %dma_start3A_20] : memref<10240x128xf32, #tpu.memory_space<hbm>> -> memref<10240x128xf32, #tpu.memory_space<hbm>>
      tpu.enqueue_indirect_dma source(%dma_start3A_21 : memref<10240x128xf32, #tpu.memory_space<hbm>>) target(%arg9 : memref<128x128xf32, #tpu.memory_space<vmem>>) offsets(%dma_start3A_18 : memref<128xi32, #tpu.memory_space<vmem>>) semaphore(%arg11 : memref<!tpu.dma_semaphore, #tpu.memory_space<semaphore_mem>>)
      %dma_wait3A = arith.constant 0 : i32
      %dma_wait3A_22 = tpu.memref_slice %arg7[%scan3A_16, %dma_wait3A] : memref<79x128xi32, #tpu.memory_space<vmem>> -> memref<1x128xi32, #tpu.memory_space<vmem>>
      %dma_wait3A_23 = tpu.memref_squeeze %dma_wait3A_22 : memref<1x128xi32, #tpu.memory_space<vmem>> -> memref<128xi32, #tpu.memory_space<vmem>>
      %dma_wait3A_24 = arith.constant 0 : i32
      %dma_wait3A_25 = arith.constant 0 : i32
      %dma_wait3A_26 = tpu.memref_slice %arg2[%dma_wait3A_24, %dma_wait3A_25] : memref<10240x128xf32, #tpu.memory_space<hbm>> -> memref<10240x128xf32, #tpu.memory_space<hbm>>
      tpu.wait_indirect_dma semaphore(%arg11 : memref<!tpu.dma_semaphore, #tpu.memory_space<semaphore_mem>>) src(%dma_wait3A_26 : memref<10240x128xf32, #tpu.memory_space<hbm>>) dst(%arg9 : memref<128x128xf32, #tpu.memory_space<vmem>>)
      "tpu.region"() ({
        %run_scoped3A = tpu.sem_alloc : memref<!tpu.dma_semaphore, #tpu.memory_space<semaphore_mem>>
        %dma_start3A_27 = arith.constant 0 : i32
        %dma_start3A_28 = tpu.memref_slice %arg8[%scan3A_16, %dma_start3A_27] : memref<79x128xi32, #tpu.memory_space<vmem>> -> memref<1x128xi32, #tpu.memory_space<vmem>>
        %dma_start3A_29 = tpu.memref_squeeze %dma_start3A_28 : memref<1x128xi32, #tpu.memory_space<vmem>> -> memref<128xi32, #tpu.memory_space<vmem>>
        %dma_start3A_30 = arith.constant 0 : i32
        %dma_start3A_31 = arith.constant 0 : i32
        %dma_start3A_32 = tpu.memref_slice %arg10[%dma_start3A_30, %dma_start3A_31] : memref<10240x128xf32, #tpu.memory_space<vmem_shared>> -> memref<10240x128xf32, #tpu.memory_space<vmem_shared>>
        tpu.enqueue_indirect_dma source(%arg9 : memref<128x128xf32, #tpu.memory_space<vmem>>) target(%dma_start3A_32 : memref<10240x128xf32, #tpu.memory_space<vmem_shared>>) offsets(%dma_start3A_29 : memref<128xi32, #tpu.memory_space<vmem>>) semaphore(%run_scoped3A : memref<!tpu.dma_semaphore, #tpu.memory_space<semaphore_mem>>) {add = true}
        %dma_wait3A_33 = arith.constant 0 : i32
        %dma_wait3A_34 = tpu.memref_slice %arg8[%scan3A_16, %dma_wait3A_33] : memref<79x128xi32, #tpu.memory_space<vmem>> -> memref<1x128xi32, #tpu.memory_space<vmem>>
        %dma_wait3A_35 = tpu.memref_squeeze %dma_wait3A_34 : memref<1x128xi32, #tpu.memory_space<vmem>> -> memref<128xi32, #tpu.memory_space<vmem>>
        %dma_wait3A_36 = arith.constant 0 : i32
        %dma_wait3A_37 = arith.constant 0 : i32
        %dma_wait3A_38 = tpu.memref_slice %arg10[%dma_wait3A_36, %dma_wait3A_37] : memref<10240x128xf32, #tpu.memory_space<vmem_shared>> -> memref<10240x128xf32, #tpu.memory_space<vmem_shared>>
        tpu.wait_indirect_dma semaphore(%run_scoped3A : memref<!tpu.dma_semaphore, #tpu.memory_space<semaphore_mem>>) src(%arg9 : memref<128x128xf32, #tpu.memory_space<vmem>>) dst(%dma_wait3A_38 : memref<10240x128xf32, #tpu.memory_space<vmem_shared>>)
        tpu.yield
      }) : () -> ()
    }
    %scan3A_7 = arith.constant 79 : i32
    %barrier3A_8 = arith.constant 0 : index
    tpu.barrier barrier_id(%barrier3A_8)
    %mul3A_9 = arith.constant 640 : i32
    %mul3A_10 = arith.muli %arg1, %mul3A_9 : i32
    %mul3A_11 = arith.constant 10240 : i32
    %mul3A_12 = arith.muli %arg0, %mul3A_11 : i32
    %mul3A_13 = arith.constant 640 : i32
    %mul3A_14 = arith.muli %arg1, %mul3A_13 : i32
    %add3A_15 = arith.addi %mul3A_12, %mul3A_14 : i32
    "tpu.region"() ({
      %run_scoped3A = tpu.sem_alloc : memref<!tpu.dma_semaphore, #tpu.memory_space<semaphore_mem>>
      %dma_start3A = arith.constant 0 : i32
      %dma_start3A_16 = tpu.memref_slice %arg6[%add3A_15, %dma_start3A] : memref<20480x128xf32, #tpu.memory_space<hbm>> -> memref<640x128xf32, #tpu.memory_space<hbm>>
      %dma_start3A_17 = arith.constant 0 : i32
      %dma_start3A_18 = tpu.memref_slice %arg10[%mul3A_10, %dma_start3A_17] : memref<10240x128xf32, #tpu.memory_space<vmem_shared>> -> memref<640x128xf32, #tpu.memory_space<vmem_shared>>
      tpu.enqueue_dma source(%dma_start3A_18 : memref<640x128xf32, #tpu.memory_space<vmem_shared>>) target(%dma_start3A_16 : memref<640x128xf32, #tpu.memory_space<hbm>>) target_semaphore(%run_scoped3A : memref<!tpu.dma_semaphore, #tpu.memory_space<semaphore_mem>>)
      %dma_wait3A = arith.constant 0 : i32
      %dma_wait3A_19 = tpu.memref_slice %arg6[%add3A_15, %dma_wait3A] : memref<20480x128xf32, #tpu.memory_space<hbm>> -> memref<640x128xf32, #tpu.memory_space<hbm>>
      %dma_wait3A_20 = arith.constant 0 : i32
      %dma_wait3A_21 = tpu.memref_slice %arg10[%mul3A_10, %dma_wait3A_20] : memref<10240x128xf32, #tpu.memory_space<vmem_shared>> -> memref<640x128xf32, #tpu.memory_space<vmem_shared>>
      tpu.wait_dma2 semaphore(%run_scoped3A : memref<!tpu.dma_semaphore, #tpu.memory_space<semaphore_mem>>) src(%dma_wait3A_21 : memref<640x128xf32, #tpu.memory_space<vmem_shared>>) dst(%dma_wait3A_19 : memref<640x128xf32, #tpu.memory_space<hbm>>)
      tpu.yield
    }) : () -> ()
    return
  }
}

#map = affine_map<(d0, d1) -> (0, 0)>
#map1 = affine_map<(d0, d1) -> (0, 0, 0)>
module attributes {stable_mosaic.version = 14 : i64} {
  func.func @_scatter_kernel(%arg0: i32, %arg1: i32, %arg2: memref<10240x128xf32, #tpu.memory_space<hbm>>, %arg3: memref<32x79x128xi32, #tpu.memory_space<hbm>>, %arg4: memref<32x79x128xi32, #tpu.memory_space<hbm>>, %arg5: memref<640x128xf32, #tpu.memory_space<hbm>>, %arg6: memref<20480x128xf32, #tpu.memory_space<hbm>>, %arg7: memref<79x128xi32, #tpu.memory_space<vmem>>, %arg8: memref<79x128xi32, #tpu.memory_space<vmem>>, %arg9: memref<128x128xf32, #tpu.memory_space<vmem>>, %arg10: memref<10240x128xf32, #tpu.memory_space<vmem_shared>>, %arg11: memref<!tpu.dma_semaphore, #tpu.memory_space<semaphore_mem>>) attributes {dimension_semantics = [#tpu.dimension_semantics<core_parallel>, #tpu.dimension_semantics<subcore_parallel>], iteration_bounds = array<i64: 2, 16>, scalar_prefetch = 0 : i64, scratch_operands = 5 : i64, tpu.core_type = #tpu.core_type<sc_vector_subcore>, window_params = [{transform_indices = #map}, {transform_indices = #map1}, {transform_indices = #map1}, {transform_indices = #map}, {transform_indices = #map}]} {
    %mul3A = arith.constant 2 : i32
    %mul3A_0 = arith.muli %arg1, %mul3A : i32
    %add3A = arith.addi %mul3A_0, %arg0 : i32
    %mul3A_1 = arith.constant 640 : i32
    %mul3A_2 = arith.muli %arg1, %mul3A_1 : i32
    "tpu.region"() ({
      %run_scoped3A = tpu.sem_alloc : memref<!tpu.dma_semaphore, #tpu.memory_space<semaphore_mem>>
      %dma_start3A = arith.constant 0 : i32
      %dma_start3A_16 = tpu.memref_slice %arg10[%mul3A_2, %dma_start3A] : memref<10240x128xf32, #tpu.memory_space<vmem_shared>> -> memref<640x128xf32, #tpu.memory_space<vmem_shared>>
      tpu.enqueue_dma source(%arg5 : memref<640x128xf32, #tpu.memory_space<hbm>>) target(%dma_start3A_16 : memref<640x128xf32, #tpu.memory_space<vmem_shared>>) target_semaphore(%run_scoped3A : memref<!tpu.dma_semaphore, #tpu.memory_space<semaphore_mem>>)
      %dma_wait3A = arith.constant 0 : i32
      %dma_wait3A_17 = tpu.memref_slice %arg10[%mul3A_2, %dma_wait3A] : memref<10240x128xf32, #tpu.memory_space<vmem_shared>> -> memref<640x128xf32, #tpu.memory_space<vmem_shared>>
      tpu.wait_dma2 semaphore(%run_scoped3A : memref<!tpu.dma_semaphore, #tpu.memory_space<semaphore_mem>>) src(%arg5 : memref<640x128xf32, #tpu.memory_space<hbm>>) dst(%dma_wait3A_17 : memref<640x128xf32, #tpu.memory_space<vmem_shared>>)
      tpu.yield
    }) : () -> ()
    "tpu.region"() ({
      %run_scoped3A = tpu.sem_alloc : memref<!tpu.dma_semaphore, #tpu.memory_space<semaphore_mem>>
      %dma_start3A = arith.constant 0 : i32
      %dma_start3A_16 = arith.constant 0 : i32
      %dma_start3A_17 = tpu.memref_slice %arg3[%add3A, %dma_start3A, %dma_start3A_16] : memref<32x79x128xi32, #tpu.memory_space<hbm>> -> memref<1x79x128xi32, #tpu.memory_space<hbm>>
      %dma_start3A_18 = tpu.memref_squeeze %dma_start3A_17 : memref<1x79x128xi32, #tpu.memory_space<hbm>> -> memref<79x128xi32, #tpu.memory_space<hbm>>
      %dma_start3A_19 = arith.constant 0 : i32
      %dma_start3A_20 = arith.constant 0 : i32
      %dma_start3A_21 = tpu.memref_slice %arg3[%add3A, %dma_start3A_19, %dma_start3A_20] : memref<32x79x128xi32, #tpu.memory_space<hbm>> -> memref<1x79x128xi32, #tpu.memory_space<hbm>>
      %dma_start3A_22 = tpu.memref_squeeze %dma_start3A_21 : memref<1x79x128xi32, #tpu.memory_space<hbm>> -> memref<79x128xi32, #tpu.memory_space<hbm>>
      tpu.enqueue_dma source(%dma_start3A_22 : memref<79x128xi32, #tpu.memory_space<hbm>>) target(%arg7 : memref<79x128xi32, #tpu.memory_space<vmem>>) target_semaphore(%run_scoped3A : memref<!tpu.dma_semaphore, #tpu.memory_space<semaphore_mem>>)
      %dma_wait3A = arith.constant 0 : i32
      %dma_wait3A_23 = arith.constant 0 : i32
      %dma_wait3A_24 = tpu.memref_slice %arg3[%add3A, %dma_wait3A, %dma_wait3A_23] : memref<32x79x128xi32, #tpu.memory_space<hbm>> -> memref<1x79x128xi32, #tpu.memory_space<hbm>>
      %dma_wait3A_25 = tpu.memref_squeeze %dma_wait3A_24 : memref<1x79x128xi32, #tpu.memory_space<hbm>> -> memref<79x128xi32, #tpu.memory_space<hbm>>
      %dma_wait3A_26 = arith.constant 0 : i32
      %dma_wait3A_27 = arith.constant 0 : i32
      %dma_wait3A_28 = tpu.memref_slice %arg3[%add3A, %dma_wait3A_26, %dma_wait3A_27] : memref<32x79x128xi32, #tpu.memory_space<hbm>> -> memref<1x79x128xi32, #tpu.memory_space<hbm>>
      %dma_wait3A_29 = tpu.memref_squeeze %dma_wait3A_28 : memref<1x79x128xi32, #tpu.memory_space<hbm>> -> memref<79x128xi32, #tpu.memory_space<hbm>>
      tpu.wait_dma2 semaphore(%run_scoped3A : memref<!tpu.dma_semaphore, #tpu.memory_space<semaphore_mem>>) src(%dma_wait3A_29 : memref<79x128xi32, #tpu.memory_space<hbm>>) dst(%arg7 : memref<79x128xi32, #tpu.memory_space<vmem>>)
      tpu.yield
    }) : () -> ()
    "tpu.region"() ({
      %run_scoped3A = tpu.sem_alloc : memref<!tpu.dma_semaphore, #tpu.memory_space<semaphore_mem>>
      %dma_start3A = arith.constant 0 : i32
      %dma_start3A_16 = arith.constant 0 : i32
      %dma_start3A_17 = tpu.memref_slice %arg4[%add3A, %dma_start3A, %dma_start3A_16] : memref<32x79x128xi32, #tpu.memory_space<hbm>> -> memref<1x79x128xi32, #tpu.memory_space<hbm>>
      %dma_start3A_18 = tpu.memref_squeeze %dma_start3A_17 : memref<1x79x128xi32, #tpu.memory_space<hbm>> -> memref<79x128xi32, #tpu.memory_space<hbm>>
      %dma_start3A_19 = arith.constant 0 : i32
      %dma_start3A_20 = arith.constant 0 : i32
      %dma_start3A_21 = tpu.memref_slice %arg4[%add3A, %dma_start3A_19, %dma_start3A_20] : memref<32x79x128xi32, #tpu.memory_space<hbm>> -> memref<1x79x128xi32, #tpu.memory_space<hbm>>
      %dma_start3A_22 = tpu.memref_squeeze %dma_start3A_21 : memref<1x79x128xi32, #tpu.memory_space<hbm>> -> memref<79x128xi32, #tpu.memory_space<hbm>>
      tpu.enqueue_dma source(%dma_start3A_22 : memref<79x128xi32, #tpu.memory_space<hbm>>) target(%arg8 : memref<79x128xi32, #tpu.memory_space<vmem>>) target_semaphore(%run_scoped3A : memref<!tpu.dma_semaphore, #tpu.memory_space<semaphore_mem>>)
      %dma_wait3A = arith.constant 0 : i32
      %dma_wait3A_23 = arith.constant 0 : i32
      %dma_wait3A_24 = tpu.memref_slice %arg4[%add3A, %dma_wait3A, %dma_wait3A_23] : memref<32x79x128xi32, #tpu.memory_space<hbm>> -> memref<1x79x128xi32, #tpu.memory_space<hbm>>
      %dma_wait3A_25 = tpu.memref_squeeze %dma_wait3A_24 : memref<1x79x128xi32, #tpu.memory_space<hbm>> -> memref<79x128xi32, #tpu.memory_space<hbm>>
      %dma_wait3A_26 = arith.constant 0 : i32
      %dma_wait3A_27 = arith.constant 0 : i32
      %dma_wait3A_28 = tpu.memref_slice %arg4[%add3A, %dma_wait3A_26, %dma_wait3A_27] : memref<32x79x128xi32, #tpu.memory_space<hbm>> -> memref<1x79x128xi32, #tpu.memory_space<hbm>>
      %dma_wait3A_29 = tpu.memref_squeeze %dma_wait3A_28 : memref<1x79x128xi32, #tpu.memory_space<hbm>> -> memref<79x128xi32, #tpu.memory_space<hbm>>
      tpu.wait_dma2 semaphore(%run_scoped3A : memref<!tpu.dma_semaphore, #tpu.memory_space<semaphore_mem>>) src(%dma_wait3A_29 : memref<79x128xi32, #tpu.memory_space<hbm>>) dst(%arg8 : memref<79x128xi32, #tpu.memory_space<vmem>>)
      tpu.yield
    }) : () -> ()
    %barrier3A = arith.constant 0 : index
    tpu.barrier barrier_id(%barrier3A)
    %scan3A = arith.constant 0 : i32
    %scan3A_3 = arith.constant 0 : i32
    %scan3A_4 = arith.constant 79 : i32
    %scan3A_5 = arith.addi %scan3A_3, %scan3A_4 : i32
    %scan3A_6 = arith.constant 1 : i32
    scf.for %scan3A_16 = %scan3A_3 to %scan3A_5 step %scan3A_6  : i32 {
      %dma_start3A = arith.constant 0 : i32
      %dma_start3A_17 = tpu.memref_slice %arg7[%scan3A_16, %dma_start3A] : memref<79x128xi32, #tpu.memory_space<vmem>> -> memref<1x128xi32, #tpu.memory_space<vmem>>
      %dma_start3A_18 = tpu.memref_squeeze %dma_start3A_17 : memref<1x128xi32, #tpu.memory_space<vmem>> -> memref<128xi32, #tpu.memory_space<vmem>>
      %dma_start3A_19 = arith.constant 0 : i32
      %dma_start3A_20 = arith.constant 0 : i32
      %dma_start3A_21 = tpu.memref_slice %arg2[%dma_start3A_19, %dma_start3A_20] : memref<10240x128xf32, #tpu.memory_space<hbm>> -> memref<10240x128xf32, #tpu.memory_space<hbm>>
      tpu.enqueue_indirect_dma source(%dma_start3A_21 : memref<10240x128xf32, #tpu.memory_space<hbm>>) target(%arg9 : memref<128x128xf32, #tpu.memory_space<vmem>>) offsets(%dma_start3A_18 : memref<128xi32, #tpu.memory_space<vmem>>) semaphore(%arg11 : memref<!tpu.dma_semaphore, #tpu.memory_space<semaphore_mem>>)
      %dma_wait3A = arith.constant 0 : i32
      %dma_wait3A_22 = tpu.memref_slice %arg7[%scan3A_16, %dma_wait3A] : memref<79x128xi32, #tpu.memory_space<vmem>> -> memref<1x128xi32, #tpu.memory_space<vmem>>
      %dma_wait3A_23 = tpu.memref_squeeze %dma_wait3A_22 : memref<1x128xi32, #tpu.memory_space<vmem>> -> memref<128xi32, #tpu.memory_space<vmem>>
      %dma_wait3A_24 = arith.constant 0 : i32
      %dma_wait3A_25 = arith.constant 0 : i32
      %dma_wait3A_26 = tpu.memref_slice %arg2[%dma_wait3A_24, %dma_wait3A_25] : memref<10240x128xf32, #tpu.memory_space<hbm>> -> memref<10240x128xf32, #tpu.memory_space<hbm>>
      tpu.wait_indirect_dma semaphore(%arg11 : memref<!tpu.dma_semaphore, #tpu.memory_space<semaphore_mem>>) src(%dma_wait3A_26 : memref<10240x128xf32, #tpu.memory_space<hbm>>) dst(%arg9 : memref<128x128xf32, #tpu.memory_space<vmem>>)
      "tpu.region"() ({
        %run_scoped3A = tpu.sem_alloc : memref<!tpu.dma_semaphore, #tpu.memory_space<semaphore_mem>>
        %dma_start3A_27 = arith.constant 0 : i32
        %dma_start3A_28 = tpu.memref_slice %arg8[%scan3A_16, %dma_start3A_27] : memref<79x128xi32, #tpu.memory_space<vmem>> -> memref<1x128xi32, #tpu.memory_space<vmem>>
        %dma_start3A_29 = tpu.memref_squeeze %dma_start3A_28 : memref<1x128xi32, #tpu.memory_space<vmem>> -> memref<128xi32, #tpu.memory_space<vmem>>
        %dma_start3A_30 = arith.constant 0 : i32
        %dma_start3A_31 = arith.constant 0 : i32
        %dma_start3A_32 = tpu.memref_slice %arg10[%dma_start3A_30, %dma_start3A_31] : memref<10240x128xf32, #tpu.memory_space<vmem_shared>> -> memref<10240x128xf32, #tpu.memory_space<vmem_shared>>
        tpu.enqueue_indirect_dma source(%arg9 : memref<128x128xf32, #tpu.memory_space<vmem>>) target(%dma_start3A_32 : memref<10240x128xf32, #tpu.memory_space<vmem_shared>>) offsets(%dma_start3A_29 : memref<128xi32, #tpu.memory_space<vmem>>) semaphore(%run_scoped3A : memref<!tpu.dma_semaphore, #tpu.memory_space<semaphore_mem>>) {add = true}
        %dma_wait3A_33 = arith.constant 0 : i32
        %dma_wait3A_34 = tpu.memref_slice %arg8[%scan3A_16, %dma_wait3A_33] : memref<79x128xi32, #tpu.memory_space<vmem>> -> memref<1x128xi32, #tpu.memory_space<vmem>>
        %dma_wait3A_35 = tpu.memref_squeeze %dma_wait3A_34 : memref<1x128xi32, #tpu.memory_space<vmem>> -> memref<128xi32, #tpu.memory_space<vmem>>
        %dma_wait3A_36 = arith.constant 0 : i32
        %dma_wait3A_37 = arith.constant 0 : i32
        %dma_wait3A_38 = tpu.memref_slice %arg10[%dma_wait3A_36, %dma_wait3A_37] : memref<10240x128xf32, #tpu.memory_space<vmem_shared>> -> memref<10240x128xf32, #tpu.memory_space<vmem_shared>>
        tpu.wait_indirect_dma semaphore(%run_scoped3A : memref<!tpu.dma_semaphore, #tpu.memory_space<semaphore_mem>>) src(%arg9 : memref<128x128xf32, #tpu.memory_space<vmem>>) dst(%dma_wait3A_38 : memref<10240x128xf32, #tpu.memory_space<vmem_shared>>)
        tpu.yield
      }) : () -> ()
    }
    %scan3A_7 = arith.constant 79 : i32
    %barrier3A_8 = arith.constant 0 : index
    tpu.barrier barrier_id(%barrier3A_8)
    %mul3A_9 = arith.constant 640 : i32
    %mul3A_10 = arith.muli %arg1, %mul3A_9 : i32
    %mul3A_11 = arith.constant 10240 : i32
    %mul3A_12 = arith.muli %arg0, %mul3A_11 : i32
    %mul3A_13 = arith.constant 640 : i32
    %mul3A_14 = arith.muli %arg1, %mul3A_13 : i32
    %add3A_15 = arith.addi %mul3A_12, %mul3A_14 : i32
    "tpu.region"() ({
      %run_scoped3A = tpu.sem_alloc : memref<!tpu.dma_semaphore, #tpu.memory_space<semaphore_mem>>
      %dma_start3A = arith.constant 0 : i32
      %dma_start3A_16 = tpu.memref_slice %arg6[%add3A_15, %dma_start3A] : memref<20480x128xf32, #tpu.memory_space<hbm>> -> memref<640x128xf32, #tpu.memory_space<hbm>>
      %dma_start3A_17 = arith.constant 0 : i32
      %dma_start3A_18 = tpu.memref_slice %arg10[%mul3A_10, %dma_start3A_17] : memref<10240x128xf32, #tpu.memory_space<vmem_shared>> -> memref<640x128xf32, #tpu.memory_space<vmem_shared>>
      tpu.enqueue_dma source(%dma_start3A_18 : memref<640x128xf32, #tpu.memory_space<vmem_shared>>) target(%dma_start3A_16 : memref<640x128xf32, #tpu.memory_space<hbm>>) target_semaphore(%run_scoped3A : memref<!tpu.dma_semaphore, #tpu.memory_space<semaphore_mem>>)
      %dma_wait3A = arith.constant 0 : i32
      %dma_wait3A_19 = tpu.memref_slice %arg6[%add3A_15, %dma_wait3A] : memref<20480x128xf32, #tpu.memory_space<hbm>> -> memref<640x128xf32, #tpu.memory_space<hbm>>
      %dma_wait3A_20 = arith.constant 0 : i32
      %dma_wait3A_21 = tpu.memref_slice %arg10[%mul3A_10, %dma_wait3A_20] : memref<10240x128xf32, #tpu.memory_space<vmem_shared>> -> memref<640x128xf32, #tpu.memory_space<vmem_shared>>
      tpu.wait_dma2 semaphore(%run_scoped3A : memref<!tpu.dma_semaphore, #tpu.memory_space<semaphore_mem>>) src(%dma_wait3A_21 : memref<640x128xf32, #tpu.memory_space<vmem_shared>>) dst(%dma_wait3A_19 : memref<640x128xf32, #tpu.memory_space<hbm>>)
      tpu.yield
    }) : () -> ()
    return
  }
}

module attributes {stable_mosaic.version = 14 : i64} {
  func.func @_t1_body(%arg0: i32, %arg1: memref<512x128xf32, #tpu.memory_space<vmem>>, %arg2: memref<128x128xf32, #tpu.memory_space<vmem>>, %arg3: memref<2x512x128xf32, #tpu.memory_space<vmem>>, %arg4: memref<512x128xf32, #tpu.memory_space<vmem>>, %arg5: memref<512x128xf32, #tpu.memory_space<vmem>>) attributes {dimension_semantics = [#tpu.dimension_semantics<arbitrary>], iteration_bounds = array<i64: 20>, scalar_prefetch = 0 : i64, scratch_operands = 0 : i64, tpu.core_type = #tpu.core_type<tc>, window_params = [{transform_indices = @transform_0, window_bounds = array<i64: 512, 128>}, {pipeline_mode = #tpu.pipeline_mode<synchronous>, transform_indices = @transform_1, window_bounds = array<i64: 128, 128>}, {transform_indices = @transform_2, window_bounds = array<i64: 2, 512, 128>}, {transform_indices = @transform_3, window_bounds = array<i64: 512, 128>}, {transform_indices = @transform_4, window_bounds = array<i64: 512, 128>}]} {
    %get3A = arith.constant 0 : index
    %get3A_0 = arith.constant 0 : index
    %get3A_1 = arith.constant 0 : index
    %get3A_2 = vector.load %arg3[%get3A, %get3A_0, %get3A_1] : memref<2x512x128xf32, #tpu.memory_space<vmem>>, vector<1x512x1xf32>
    %get3A_3 = vector.shape_cast %get3A_2 : vector<1x512x1xf32> to vector<512x1xf32>
    %get3A_4 = arith.constant 1 : index
    %get3A_5 = arith.constant 0 : index
    %get3A_6 = arith.constant 0 : index
    %get3A_7 = vector.load %arg3[%get3A_4, %get3A_5, %get3A_6] : memref<2x512x128xf32, #tpu.memory_space<vmem>>, vector<1x512x1xf32>
    %get3A_8 = vector.shape_cast %get3A_7 : vector<1x512x1xf32> to vector<512x1xf32>
    %add3A = arith.addf %get3A_3, %get3A_8 : vector<512x1xf32>
    %add3A_9 = arith.constant 1.000000e+00 : f32
    %add3A_10 = vector.broadcast %add3A_9 : f32 to vector<512x1xf32>
    %add3A_11 = arith.addf %add3A, %add3A_10 : vector<512x1xf32>
    %broadcast_in_dim3A = vector.shape_cast %add3A_11 : vector<512x1xf32> to vector<512x1xf32>
    %broadcast_in_dim3A_12 = vector.broadcast %broadcast_in_dim3A : vector<512x1xf32> to vector<512x128xf32>
    %rsqrt3A = math.rsqrt %broadcast_in_dim3A_12 : vector<512x128xf32>
    %swap3A = arith.constant 0 : index
    %swap3A_13 = arith.constant 0 : index
    %swap3A_14 = vector.load %arg5[%swap3A, %swap3A_13] : memref<512x128xf32, #tpu.memory_space<vmem>>, vector<512x128xf32>
    tpu.vector_store %arg5[%swap3A, %swap3A_13], %rsqrt3A {strides = array<i32>} : memref<512x128xf32, #tpu.memory_space<vmem>>, vector<512x128xf32>,
    %get3A_15 = arith.constant 0 : index
    %get3A_16 = arith.constant 0 : index
    %get3A_17 = vector.load %arg1[%get3A_15, %get3A_16] : memref<512x128xf32, #tpu.memory_space<vmem>>, vector<512x128xf32>
    %get3A_18 = arith.constant 0 : index
    %get3A_19 = arith.constant 0 : index
    %get3A_20 = vector.load %arg2[%get3A_18, %get3A_19] : memref<128x128xf32, #tpu.memory_space<vmem>>, vector<128x128xf32>
    %dot_general3A = arith.constant dense<0.000000e+00> : vector<512x128xf32>
    %dot_general3A_21 = tpu.matmul %get3A_17, %get3A_20, %dot_general3A {dimension_numbers = #tpu.dot_dimension_numbers<[1], [0], [0], [1], [0, 0, 1, 1], [], []>, transpose_lhs_hint = false} : vector<512x128xf32>, vector<128x128xf32>, vector<512x128xf32> -> vector<512x128xf32>
    %mul3A = arith.mulf %dot_general3A_21, %rsqrt3A : vector<512x128xf32>
    %swap3A_22 = arith.constant 0 : index
    %swap3A_23 = arith.constant 0 : index
    %swap3A_24 = vector.load %arg4[%swap3A_22, %swap3A_23] : memref<512x128xf32, #tpu.memory_space<vmem>>, vector<512x128xf32>
    tpu.vector_store %arg4[%swap3A_22, %swap3A_23], %mul3A {strides = array<i32>} : memref<512x128xf32, #tpu.memory_space<vmem>>, vector<512x128xf32>,
    return
  }
  func.func @transform_0(%arg0: i32) -> (i32, i32) {
    %c0_i32 = arith.constant 0 : i32
    %c0_i32_0 = arith.constant 0 : i32
    return %arg0, %c0_i32 : i32, i32
  }
  func.func @transform_1(%arg0: i32) -> (i32, i32) {
    %c0_i32 = arith.constant 0 : i32
    %c0_i32_0 = arith.constant 0 : i32
    %c0_i32_1 = arith.constant 0 : i32
    return %c0_i32, %c0_i32_0 : i32, i32
  }
  func.func @transform_2(%arg0: i32) -> (i32, i32, i32) {
    %c0_i32 = arith.constant 0 : i32
    %c0_i32_0 = arith.constant 0 : i32
    %c0_i32_1 = arith.constant 0 : i32
    return %c0_i32, %arg0, %c0_i32_0 : i32, i32, i32
  }
  func.func @transform_3(%arg0: i32) -> (i32, i32) {
    %c0_i32 = arith.constant 0 : i32
    %c0_i32_0 = arith.constant 0 : i32
    return %arg0, %c0_i32 : i32, i32
  }
  func.func @transform_4(%arg0: i32) -> (i32, i32) {
    %c0_i32 = arith.constant 0 : i32
    %c0_i32_0 = arith.constant 0 : i32
    return %arg0, %c0_i32 : i32, i32
  }
}

module attributes {stable_mosaic.version = 14 : i64} {
  func.func @_tmid_body(%arg0: i32, %arg1: memref<2x512x128xf32, #tpu.memory_space<vmem>>, %arg2: memref<512x128xf32, #tpu.memory_space<vmem>>, %arg3: memref<512x128xf32, #tpu.memory_space<vmem>>, %arg4: memref<1x128xf32, #tpu.memory_space<vmem>>, %arg5: memref<128x128xf32, #tpu.memory_space<vmem>>, %arg6: memref<512x128xf32, #tpu.memory_space<vmem>>) attributes {dimension_semantics = [#tpu.dimension_semantics<arbitrary>], iteration_bounds = array<i64: 20>, scalar_prefetch = 0 : i64, scratch_operands = 0 : i64, tpu.core_type = #tpu.core_type<tc>, window_params = [{transform_indices = @transform_0, window_bounds = array<i64: 2, 512, 128>}, {transform_indices = @transform_1, window_bounds = array<i64: 512, 128>}, {transform_indices = @transform_2, window_bounds = array<i64: 512, 128>}, {pipeline_mode = #tpu.pipeline_mode<synchronous>, transform_indices = @transform_3, window_bounds = array<i64: 1, 128>}, {pipeline_mode = #tpu.pipeline_mode<synchronous>, transform_indices = @transform_4, window_bounds = array<i64: 128, 128>}, {transform_indices = @transform_5, window_bounds = array<i64: 512, 128>}]} {
    %get3A = arith.constant 0 : index
    %get3A_0 = arith.constant 0 : index
    %get3A_1 = vector.load %arg3[%get3A, %get3A_0] : memref<512x128xf32, #tpu.memory_space<vmem>>, vector<512x128xf32>
    %get3A_2 = arith.constant 0 : index
    %get3A_3 = arith.constant 0 : index
    %get3A_4 = arith.constant 0 : index
    %get3A_5 = vector.load %arg1[%get3A_2, %get3A_3, %get3A_4] : memref<2x512x128xf32, #tpu.memory_space<vmem>>, vector<1x512x128xf32>
    %get3A_6 = vector.shape_cast %get3A_5 : vector<1x512x128xf32> to vector<512x128xf32>
    %get3A_7 = arith.constant 1 : index
    %get3A_8 = arith.constant 0 : index
    %get3A_9 = arith.constant 0 : index
    %get3A_10 = vector.load %arg1[%get3A_7, %get3A_8, %get3A_9] : memref<2x512x128xf32, #tpu.memory_space<vmem>>, vector<1x512x128xf32>
    %get3A_11 = vector.shape_cast %get3A_10 : vector<1x512x128xf32> to vector<512x128xf32>
    %add3A = arith.addf %get3A_6, %get3A_11 : vector<512x128xf32>
    %get3A_12 = arith.constant 0 : index
    %get3A_13 = arith.constant 0 : index
    %get3A_14 = vector.load %arg2[%get3A_12, %get3A_13] : memref<512x128xf32, #tpu.memory_space<vmem>>, vector<512x128xf32>
    %add3A_15 = arith.addf %add3A, %get3A_14 : vector<512x128xf32>
    %mul3A = arith.mulf %add3A_15, %get3A_1 : vector<512x128xf32>
    %get3A_16 = arith.constant 0 : index
    %get3A_17 = arith.constant 0 : index
    %get3A_18 = vector.load %arg4[%get3A_16, %get3A_17] : memref<1x128xf32, #tpu.memory_space<vmem>>, vector<1x128xf32>
    %add3A_19 = vector.broadcast %get3A_18 : vector<1x128xf32> to vector<512x128xf32>
    %add3A_20 = arith.addf %mul3A, %add3A_19 : vector<512x128xf32>
    %max3A = arith.constant 0.000000e+00 : f32
    %max3A_21 = vector.broadcast %max3A : f32 to vector<512x128xf32>
    %max3A_22 = arith.maximumf %add3A_20, %max3A_21 : vector<512x128xf32>
    %get3A_23 = arith.constant 0 : index
    %get3A_24 = arith.constant 0 : index
    %get3A_25 = vector.load %arg5[%get3A_23, %get3A_24] : memref<128x128xf32, #tpu.memory_space<vmem>>, vector<128x128xf32>
    %dot_general3A = arith.constant dense<0.000000e+00> : vector<512x128xf32>
    %dot_general3A_26 = tpu.matmul %max3A_22, %get3A_25, %dot_general3A {dimension_numbers = #tpu.dot_dimension_numbers<[1], [0], [0], [1], [0, 0, 1, 1], [], []>, transpose_lhs_hint = false} : vector<512x128xf32>, vector<128x128xf32>, vector<512x128xf32> -> vector<512x128xf32>
    %mul3A_27 = arith.mulf %dot_general3A_26, %get3A_1 : vector<512x128xf32>
    %swap3A = arith.constant 0 : index
    %swap3A_28 = arith.constant 0 : index
    %swap3A_29 = vector.load %arg6[%swap3A, %swap3A_28] : memref<512x128xf32, #tpu.memory_space<vmem>>, vector<512x128xf32>
    tpu.vector_store %arg6[%swap3A, %swap3A_28], %mul3A_27 {strides = array<i32>} : memref<512x128xf32, #tpu.memory_space<vmem>>, vector<512x128xf32>,
    return
  }
  func.func @transform_0(%arg0: i32) -> (i32, i32, i32) {
    %c0_i32 = arith.constant 0 : i32
    %c0_i32_0 = arith.constant 0 : i32
    %c0_i32_1 = arith.constant 0 : i32
    return %c0_i32, %arg0, %c0_i32_0 : i32, i32, i32
  }
  func.func @transform_1(%arg0: i32) -> (i32, i32) {
    %c0_i32 = arith.constant 0 : i32
    %c0_i32_0 = arith.constant 0 : i32
    return %arg0, %c0_i32 : i32, i32
  }
  func.func @transform_2(%arg0: i32) -> (i32, i32) {
    %c0_i32 = arith.constant 0 : i32
    %c0_i32_0 = arith.constant 0 : i32
    return %arg0, %c0_i32 : i32, i32
  }
  func.func @transform_3(%arg0: i32) -> (i32, i32) {
    %c0_i32 = arith.constant 0 : i32
    %c0_i32_0 = arith.constant 0 : i32
    %c0_i32_1 = arith.constant 0 : i32
    return %c0_i32, %c0_i32_0 : i32, i32
  }
  func.func @transform_4(%arg0: i32) -> (i32, i32) {
    %c0_i32 = arith.constant 0 : i32
    %c0_i32_0 = arith.constant 0 : i32
    %c0_i32_1 = arith.constant 0 : i32
    return %c0_i32, %c0_i32_0 : i32, i32
  }
  func.func @transform_5(%arg0: i32) -> (i32, i32) {
    %c0_i32 = arith.constant 0 : i32
    %c0_i32_0 = arith.constant 0 : i32
    return %arg0, %c0_i32 : i32, i32
  }
}

module attributes {stable_mosaic.version = 14 : i64} {
  func.func @_tfin_body(%arg0: i32, %arg1: memref<2x512x128xf32, #tpu.memory_space<vmem>>, %arg2: memref<512x128xf32, #tpu.memory_space<vmem>>, %arg3: memref<512x128xf32, #tpu.memory_space<vmem>>, %arg4: memref<1x128xf32, #tpu.memory_space<vmem>>, %arg5: memref<512x128xf32, #tpu.memory_space<vmem>>) attributes {dimension_semantics = [#tpu.dimension_semantics<arbitrary>], iteration_bounds = array<i64: 20>, scalar_prefetch = 0 : i64, scratch_operands = 0 : i64, tpu.core_type = #tpu.core_type<tc>, window_params = [{transform_indices = @transform_0, window_bounds = array<i64: 2, 512, 128>}, {transform_indices = @transform_1, window_bounds = array<i64: 512, 128>}, {transform_indices = @transform_2, window_bounds = array<i64: 512, 128>}, {pipeline_mode = #tpu.pipeline_mode<synchronous>, transform_indices = @transform_3, window_bounds = array<i64: 1, 128>}, {transform_indices = @transform_4, window_bounds = array<i64: 512, 128>}]} {
    %get3A = arith.constant 0 : index
    %get3A_0 = arith.constant 0 : index
    %get3A_1 = arith.constant 0 : index
    %get3A_2 = vector.load %arg1[%get3A, %get3A_0, %get3A_1] : memref<2x512x128xf32, #tpu.memory_space<vmem>>, vector<1x512x128xf32>
    %get3A_3 = vector.shape_cast %get3A_2 : vector<1x512x128xf32> to vector<512x128xf32>
    %get3A_4 = arith.constant 1 : index
    %get3A_5 = arith.constant 0 : index
    %get3A_6 = arith.constant 0 : index
    %get3A_7 = vector.load %arg1[%get3A_4, %get3A_5, %get3A_6] : memref<2x512x128xf32, #tpu.memory_space<vmem>>, vector<1x512x128xf32>
    %get3A_8 = vector.shape_cast %get3A_7 : vector<1x512x128xf32> to vector<512x128xf32>
    %add3A = arith.addf %get3A_3, %get3A_8 : vector<512x128xf32>
    %get3A_9 = arith.constant 0 : index
    %get3A_10 = arith.constant 0 : index
    %get3A_11 = vector.load %arg2[%get3A_9, %get3A_10] : memref<512x128xf32, #tpu.memory_space<vmem>>, vector<512x128xf32>
    %add3A_12 = arith.addf %add3A, %get3A_11 : vector<512x128xf32>
    %get3A_13 = arith.constant 0 : index
    %get3A_14 = arith.constant 0 : index
    %get3A_15 = vector.load %arg3[%get3A_13, %get3A_14] : memref<512x128xf32, #tpu.memory_space<vmem>>, vector<512x128xf32>
    %mul3A = arith.mulf %add3A_12, %get3A_15 : vector<512x128xf32>
    %get3A_16 = arith.constant 0 : index
    %get3A_17 = arith.constant 0 : index
    %get3A_18 = vector.load %arg4[%get3A_16, %get3A_17] : memref<1x128xf32, #tpu.memory_space<vmem>>, vector<1x128xf32>
    %add3A_19 = vector.broadcast %get3A_18 : vector<1x128xf32> to vector<512x128xf32>
    %add3A_20 = arith.addf %mul3A, %add3A_19 : vector<512x128xf32>
    %swap3A = arith.constant 0 : index
    %swap3A_21 = arith.constant 0 : index
    %swap3A_22 = vector.load %arg5[%swap3A, %swap3A_21] : memref<512x128xf32, #tpu.memory_space<vmem>>, vector<512x128xf32>
    tpu.vector_store %arg5[%swap3A, %swap3A_21], %add3A_20 {strides = array<i32>} : memref<512x128xf32, #tpu.memory_space<vmem>>, vector<512x128xf32>,
    return
  }
  func.func @transform_0(%arg0: i32) -> (i32, i32, i32) {
    %c0_i32 = arith.constant 0 : i32
    %c0_i32_0 = arith.constant 0 : i32
    %c0_i32_1 = arith.constant 0 : i32
    return %c0_i32, %arg0, %c0_i32_0 : i32, i32, i32
  }
  func.func @transform_1(%arg0: i32) -> (i32, i32) {
    %c0_i32 = arith.constant 0 : i32
    %c0_i32_0 = arith.constant 0 : i32
    return %arg0, %c0_i32 : i32, i32
  }
  func.func @transform_2(%arg0: i32) -> (i32, i32) {
    %c0_i32 = arith.constant 0 : i32
    %c0_i32_0 = arith.constant 0 : i32
    return %arg0, %c0_i32 : i32, i32
  }
  func.func @transform_3(%arg0: i32) -> (i32, i32) {
    %c0_i32 = arith.constant 0 : i32
    %c0_i32_0 = arith.constant 0 : i32
    %c0_i32_1 = arith.constant 0 : i32
    return %c0_i32, %c0_i32_0 : i32, i32
  }
  func.func @transform_4(%arg0: i32) -> (i32, i32) {
    %c0_i32 = arith.constant 0 : i32
    %c0_i32_0 = arith.constant 0 : i32
    return %arg0, %c0_i32 : i32, i32
  }
}

</mosaic_0001>

<sc_bundles>
// kernel: kernel.10.cloned.1.call-start
scs
__scs_entry_jumppad:
0x0: {  	(pc) =	sbr.rel $0x88, $3  }
0x1: {  	(tag) =	ssettag $0x0;
	lr =	simm.s32 $0x1  }
0x2: {  	[smem:$0x3F99] =	sst lr;
	_ =	strace $0xD0000000  }
0x3: {  	_ = 	snop  }
0x4: {  	_ = 	snop  }
0x5: {  	_ = 	snop  }
0x6: {  	_ = 	snop  }
0x7: {  	_ = 	snop  }
__scs_overlays_trampoline_lowered:
0x8: {  	[smem:$0x3FA8] =	sst s0  }
0x9: {  	[smem:$0x3FA9] =	sst s1  }
0xa: {  	[smem:$0x3FAA] =	sst s2  }
0xb: {  	[smem:$0x3FAB] =	sst s3  }
0xc: {  	[smem:$0x3FAC] =	sst s4  }
0xd: {  	[smem:$0x3FAD] =	sst s5  }
0xe: {  	[smem:$0x3FAE] =	sst s6  }
0xf: {  	[smem:$0x3FAF] =	sst s7  }
0x10: {  	[smem:$0x3FB0] =	sst s8  }
0x11: {  	[smem:$0x3FB1] =	sst s9;
	s0 =	simm.s32 @!p0 $0x0  }
0x12: {  	s1 =	sld [smem:$0x3F97];
	s0 =	simm.s32 @p0 $0x1  }
0x13: {  	[smem:$0x3FB2] =	sst s0;
	s0 =	simm.s32 @!p1 $0x0  }
0x14: {  	s2 =	sld [smem:$0x3F96];
	s0 =	simm.s32 @p1 $0x1  }
0x15: {  	[smem:$0x3FB3] =	sst s0;
	s0 =	simm.s32 @!p2 $0x0  }
0x16: {  	s3 =	sld [smem:$0x3FDB];
	s0 =	simm.s32 @p2 $0x1  }
0x17: {  	s4 =	simm.s32 $0x1BF5;
	[smem:$0x3FB5] =	sst s0  }
0x18: {  	s0 =	sld [smem:$0x3F98];
	_ =	swait.ge [sflag:s4], $0x0  }
0x19: {  	s7 =	sld [smem:$0x3F99]  }
0x1a: {  	s8 =	sadd.s32 $0xFFFFE003, lr  }
0x1b: {  	s9 =	sadd.s32 $0xFFFFFEF7, lr;
	s5 =	simm.s32 $0xFFFFFFFF;
	p2 =	slt.u32 s8, $0xFFFFF086  }
0x1c: {  	p1 =	slt.u32 s9, $0xF7A;
	s5 =	simm.s32 @!p2 $0x0  }
0x1d: {  	s5 =	simm.s32 @p1 $0x1;
	p0 =	seq.s32 s7, s2  }
0x1e: {  	s7 =	smul.u32 @!p0 $0xF7A, s2;
	p2 =	seq.s32 @!p0 s5, $0x0  }
0x1f: {  	s9 =	smul.u32 $0xF7A, s1;
	s8 =	simm.s32 @!p0 $0x1BF5;
	p2 =	por !p2, p0  }
0x20: {  	[sflag:s8] =	ssyncset.s32 @!p0 $0xFFFFF086;
	s6 =	sadd.s32 @!p0 s3, s7;
	s7 =	simm.s32 @!p0 $0x108  }
0x21: {  	s3 =	sadd.s32 s3, s9;
	s6 =	sadd.s32 @!p0 $0x88, s6;
	s7 =	simm.s32 @p2 $0x1082  }
0x22: {  	[simem:s7], [sflag:s8] =	dma.local @!p0 [hbm:s6], $0xF7A  }
0x23: {  	s9 =	sor.u32 $0xD0000000, s2;
	s6 =	simm.s32 $0x108;
	_ =	swait.ge @!p0 [sflag:s8], $0x0  }
0x24: {  	s3 =	sadd.s32 $0x88, s3;
	s6 =	simm.s32 @!p1 $0x1082;
	[sflag:s4] =	ssyncset.s32 $0xFFFFF086  }
0x25: {  	[simem:s6], [sflag:s4] =	dma.local [hbm:s3], $0xF7A  }
0x26: {  	[smem:$0x3F99] =	sst s1;
	(tag) =	ssettag s2;
	_ =	strace s9  }
0x27: {  	s1 =	sld [smem:$0x3FA9]  }
0x28: {  	s2 =	sld [smem:$0x3FAA]  }
0x29: {  	s4 =	sld [smem:$0x3FAC]  }
0x2a: {  	p0 =	seq.s32 s5, $0x0;
	s5 =	sld [smem:$0x3FAD]  }
0x2b: {  	s6 =	sld [smem:$0x3FAE]  }
0x2c: {  	s7 =	sld [smem:$0x3FAF]  }
0x2d: {  	s3 =	simm.s32 $0x108;
	s8 =	sld [smem:$0x3FB0]  }
0x2e: {  	s3 =	simm.s32 @!p0 $0x1082;
	s9 =	sld [smem:$0x3FB1]  }
0x2f: {  	lr =	sadd.s32 s0, s3;
	s0 =	sld [smem:$0x3FA8]  }
0x30: {  	s3 =	sld [smem:$0x3FAB]  }
0x31: {  	[smem:$0x3FB4] =	sst s10  }
0x32: {  	s10 =	sld [smem:$0x3FB2];
	_ =	sdelay $0x3  }
0x33: {  	p0 =	seq.s32 s10, $0x1;
	s10 =	sld [smem:$0x3FB4];
	_ =	sdelay $0x3  }
0x34: {  	[smem:$0x3FB4] =	sst s10  }
0x35: {  	s10 =	sld [smem:$0x3FB3];
	_ =	sdelay $0x3  }
0x36: {  	p1 =	seq.s32 s10, $0x1;
	s10 =	sld [smem:$0x3FB4];
	_ =	sdelay $0x3  }
0x37: {  	[smem:$0x3FB4] =	sst s10  }
0x38: {  	s10 =	sld [smem:$0x3FB5]  }
0x39: {  	_ = 	snop;
	(pc) =	sbr.ind lr, $3  }
0x3a: {  	_ = 	snop  }
0x3b: {  	_ = 	snop  }
0x3c: {  	p2 =	seq.s32 s10, $0x1;
	s10 =	sld [smem:$0x3FB4]  }
0x3d: {  	_ =	shalt  }
0x3e: {  	_ =	shalt  }
0x3f: {  	_ =	shalt  }
0x40: {  	_ =	shalt  }
0x41: {  	_ =	shalt  }
0x42: {  	_ =	shalt  }
0x43: {  	_ =	shalt  }
0x44: {  	_ =	shalt  }
0x45: {  	_ =	shalt  }
0x46: {  	_ =	shalt  }
0x47: {  	_ =	shalt  }
0x48: {  	_ =	shalt  }
0x49: {  	_ =	shalt  }
0x4a: {  	_ =	shalt  }
0x4b: {  	_ =	shalt  }
0x4c: {  	_ =	shalt  }
0x4d: {  	_ =	shalt  }
0x4e: {  	_ =	shalt  }
0x4f: {  	_ =	shalt  }
0x50: {  	_ =	shalt  }
0x51: {  	_ =	shalt  }
0x52: {  	_ =	shalt  }
0x53: {  	_ =	shalt  }
0x54: {  	_ =	shalt  }
0x55: {  	_ =	shalt  }
0x56: {  	_ =	shalt  }
0x57: {  	_ =	shalt  }
0x58: {  	_ =	shalt  }
0x59: {  	_ =	shalt  }
0x5a: {  	_ =	shalt  }
0x5b: {  	_ =	shalt  }
0x5c: {  	_ =	shalt  }
0x5d: {  	_ =	shalt  }
0x5e: {  	_ =	shalt  }
0x5f: {  	_ =	shalt  }
0x60: {  	_ =	shalt  }
0x61: {  	_ =	shalt  }
0x62: {  	_ =	shalt  }
0x63: {  	_ =	shalt  }
0x64: {  	_ =	shalt  }
0x65: {  	_ =	shalt  }
0x66: {  	_ =	shalt  }
0x67: {  	_ =	shalt  }
0x68: {  	_ =	shalt  }
0x69: {  	_ =	shalt  }
0x6a: {  	_ =	shalt  }
0x6b: {  	_ =	shalt  }
0x6c: {  	_ =	shalt  }
0x6d: {  	_ =	shalt  }
0x6e: {  	_ =	shalt  }
0x6f: {  	_ =	shalt  }
0x70: {  	_ =	shalt  }
0x71: {  	_ =	shalt  }
0x72: {  	_ =	shalt  }
0x73: {  	_ =	shalt  }
0x74: {  	_ =	shalt  }
0x75: {  	_ =	shalt  }
0x76: {  	_ =	shalt  }
0x77: {  	_ =	shalt  }
0x78: {  	_ =	shalt  }
0x79: {  	_ =	shalt  }
0x7a: {  	_ =	shalt  }
0x7b: {  	_ =	shalt  }
0x7c: {  	_ =	shalt  }
0x7d: {  	_ =	shalt  }
0x7e: {  	_ =	shalt  }
0x7f: {  	_ =	shalt  }
0x80: {  	_ =	shalt  }
0x81: {  	_ =	shalt  }
0x82: {  	_ =	shalt  }
0x83: {  	_ =	shalt  }
0x84: {  	_ =	shalt  }
0x85: {  	_ =	shalt  }
0x86: {  	_ =	shalt  }
0x87: {  	_ =	shalt  }
.Lfunc_end0:
.L_simem_size_0:
called_computation_lowered:
.L_overlay_start_0:
0x88: {  	s2 =	sld [smem:$0x3FD9]  }
0x89: {  	s3 =	sld [smem:$0x3FFE];
	_ =	sdelay $0x1  }
0x8a: {  	s1 =	srdreg.scid  }
0x8b: {  	s0 =	sand.u32 $0x1, s1  }
0x8c: {  	s17 =	sshll.u32 s0, $0xA;
	s2 =	sadd.s32 s3, s2  }
0x8d: {  	s2 =	sadd.s32 s2, s17  }
0x8e: {  	[smem:$0x3FC0] =	sst s2  }
0x8f: {  	_ = 	snop  }
0x90: {  	s2 =	sld [smem:$0x3FD0];
	(tm) =	ssettm $0x1  }
0x91: {  	s18 =	sld [smem:$0x3FFB];
	_ =	sdelay $0x3  }
0x92: {  	_ =	strace s18  }
0x93: {  	s3 =	sld [smem:$0x3FFC];
	_ =	sdelay $0x3  }
0x94: {  	_ =	strace s3  }
0x95: {  	s3 =	sld [smem:$0x3FFD];
	_ =	sdelay $0x3  }
0x96: {  	_ =	strace s3  }
0x97: {  	_ =	strace $0x8FFFFFFF  }
0x98: {  	s19 =	sld [smem:$0x3FDB];
	_ =	sdelay $0x1  }
0x99: {  	s4 =	simm.s32 $_scs_section_size  }
0x9a: {  	s5 =	simm.s32 $_size__tile_overlayer_lowered;
	s6 =	simm.s32 $_tile_overlayer_lowered  }
0x9b: {  	s22 =	simm.s32 $0x1BFF;
	s21 =	sshll.u32 s6, $0x1;
	s3 =	sadd.s32 s4, s19  }
0x9c: {  	s7 =	simm.s32 $0x0;
	s20 =	sshll.u32 s5, $0x1;
	s5 =	sadd.s32 s21, s3  }
0x9d: {  	[timem:s7], [sflag:s22] =	dma.local [hbm:s5], s20  }
0x9e: {  	_ =	swait.ge [sflag:s22], s20  }
0x9f: {  	s4 =	ssub.s32 $0x0, s20;
	[sflag:s22] =	ssyncset.done $0x0  }
0xa0: {  	[sflag:s22] =	ssyncadd.s32 s4;
	_ =	sdelay $0x1  }
0xa1: {  	s23 =	simm.s32 $0x1B8B  }
0xa2: {  	_ =	swait.ge [sflag:s23], $0x1  }
0xa3: {  	[sflag:s23] =	ssyncset.done $0x0  }
0xa4: {  	s25 =	simm.s32 $0x1B8E;
	s24 =	sld [smem:$0x3FFE];
	[sflag:s23] =	ssyncadd.s32 $0xFFFFFFFF  }
0xa5: {  	s26 =	simm.s32 $execute0_lowered;
	[smem:$0x3FD2] =	sst s25  }
0xa6: {  	s5 =	sshll.u32 s26, $0x1;
	_ =	strace $0x80000046;
	[dreg:$0x1] =	wrdreg $0xFFFFFFFF  }
0xa7: {  	s28 =	simm.s32 $_size_execute0_lowered;
	s3 =	sadd.s32 s3, s5;
	[dreg:$0x0] =	wrdreg $0x0  }
0xa8: {  	s5 =	sshll.u32 s28, $0x1;
	[dreg:$0x2] =	wrdreg s3  }
0xa9: {  	[dreg:$0x3] =	wrdreg s5  }
0xaa: {  	[dreg:$0x4] =	wrdreg $0xC0  }
0xab: {  	_ =	task [dreg:s7], $0x5FFFF  }
0xac: {  	[dreg:$0x1] =	wrdreg $0xFFFFFFFF  }
0xad: {  	[dreg:$0x0] =	wrdreg $0x60  }
0xae: {  	[dreg:$0x2] =	wrdreg s2  }
0xaf: {  	[dreg:$0x3] =	wrdreg s24  }
0xb0: {  	[dreg:$0x4] =	wrdreg $0x68000  }
0xb1: {  	[dreg:$0x5] =	wrdreg $0x9  }
0xb2: {  	_ =	task.clear_ibuf [dreg:s7], $0x6FFFF;
	_ =	strace $0x90000046  }
0xb3: {  	s29 =	simm.s32 $0x9;
	_ =	strace $0x80000048  }
0xb4: {  	_ =	swait.ge [sflag:s29], $0x1  }
0xb5: {  	[sflag:s29] =	ssyncadd.s32 $0xFFFFFFFF  }
0xb6: {  	_ =	strace $0x90000048  }
0xb7: {  	_ =	sfence  }
0xb8: {  	s30 =	sld [smem:$0x0];
	_ =	sdelay $0x2  }
0xb9: {  	s31 =	sshll.u32 s1, $0xD;
	s1 =	sshrl.u32 s1, $0x2  }
0xba: {  	s3 =	sand.u32 $0x4000, s31;
	s1 =	sadd.s32 s1, s30  }
0xbb: {  	s0 =	sor.u32 s3, s0;
	s1 =	sshll.u32 s1, $0x11  }
0xbc: {  	s0 =	sor.u32 s1, s0  }
0xbd: {  	s0 =	sadd.s32 $0x8F2B, s0  }
0xbe: {  	[sflag:s0] =	ssyncadd.remote.s32 $0x1  }
0xbf: {  	_ =	sfence.sel $0xFFFF  }
0xc0: {  	[dreg:$0x0] =	wrdreg $0xFFFFFFFF;
	(pc) =	sbr.abs _section_cstart, $3  }
0xc1: {  	[dreg:$0x1] =	wrdreg $0xFFFFFFFF  }
0xc2: {  	_ =	task.clear_ibuf [dreg:s7], $0x2FFFF;
	_ =	strace $0x9FFFFFFF  }
0xc3: {  	(tm) =	ssettm $0x7FFFFFFF  }
tec
execute0_lowered:
.L_overlay_start_1:
0x0: {  	(tag) =	ssettag $0x1  }
0x1: {  	s7 =	rddreg [dreg:$0x0]  }
0x2: {  	s6 =	rddreg [dreg:$0x1]  }
0x3: {  	s2 =	rddreg [dreg:$0x2]  }
0x4: {  	s0 =	rddreg [dreg:$0x3];
	s4 =	srdreg.scid  }
0x5: {  	s1 =	stileid.u32;
	s3 =	simm.s32 $0x0;
	s12 =	simm.s32 $0x2800  }
0x6: {  	s13 =	simm.s32 $0x80;
	s14 =	simm.s32 $0x100;
	s15 =	simm.s32 $0x180  }
0x7: {  	s16 =	simm.s32 $0x1;
	s17 =	simm.s32 $0x0;
	s8 =	sand.u32 $0x1, s4  }
0x8: {  	s9 =	smul.u32 $0x2800, s1;
	[smem:$0x7FF] =	sst s3;
	s4 =	sadd.s32 $0x5200, s6  }
0x9: {  	s5 =	sadd.s32 $0x2A00, s6;
	s28 =	smul.u32 $0x50000, s1;
	s11 =	sshll.u32 s1, $0x1  }
0xa: {  	s31 =	sshll.u32 s1, $0x6;
	s10 =	smul.u32 $0x28000, s8;
	s29 =	ssub.s32 $0x2, s8  }
0xb: {  	_ =	strace $0x80000047;
	s8 =	sor.u32 s8, s11;
	s30 =	sshrl.u32 s29, $0x1  }
0xc: {  	s8 =	smul.u32 $0x500, s8;
	s9 =	sadd.s32 s9, s10;
	s10 =	sshrl.u32 s28, $0x2  }
0xd: {  	s11 =	ssub.s32 s29, s30;
	s9 =	sadd.s32 s9, s6;
	s10 =	sadd.s32 s10, s2  }
0xe: {  	s6 =	sor.u32 $0x1C02, s31;
	s7 =	sadd.s32 s7, s8;
	s8 =	sadd.s32 $0x5A00, s9  }
0xf: {  	s9 =	smax.u32 s11, $0x1;
	s10 =	sshrl.u32 s10, $0x3;
	s11 =	simm.s32 $0x2  }
.LBB2_1:
0x10: {  	[spmem:s10], [sflag:s6] =	dma.local [hbm:s5], $0x2800  }
0x11: {  	_ =	swait.ge [sflag:s11], $0x2800  }
0x12: {  	[sflag:s11] =	ssyncset.done $0x0  }
0x13: {  	[sflag:s11] =	ssyncadd.s32 $0xFFFFD800  }
0x14: {  	[tilespmem:s12], [sflag:$0x2] =	stream.linear.gather [hbm4b:s4+s3], $0x4000, $0x38;
	[tilespmem:$0x1A800] =	vst v63  }
0x15: {  	_ =	swait.ge [sflag:s11], $0x4000  }
0x16: {  	[sflag:s11] =	ssyncset.done $0x0  }
0x17: {  	[sflag:s11] =	ssyncadd.s32 $0xFFFFC000  }
0x18: {  	[tilespmem:s3], [sflag:$0x2] =	stream.linear.gather [hbm4b:s7+s3], $0x2780, $0x38;
	[tilespmem:$0x1A800] =	vst v63  }
0x19: {  	_ =	swait.ge [sflag:s11], $0x2780  }
0x1a: {  	[sflag:s11] =	ssyncset.done $0x0  }
0x1b: {  	[sflag:s11] =	ssyncadd.s32 $0xFFFFD880  }
0x1c: {  	[bflag:$0x0] =	sbarrier.arrive $0xFFFF  }
0x1d: {  	[spmem:s2] =	stream.indirect.scatter.add.f32 [tilespmem:s12], [sflag:$0x1], $0x80, s3, s13, $0xb8;
	[tilespmem:$0x1A800] =	vst v63  }
0x1e: {  	_ = 	snop  }
0x1f: {  	[spmem:s2] =	stream.indirect.scatter.add.f32 [tilespmem:s12], [sflag:$0x1], $0x80, s13, s13, $0xb8;
	[tilespmem:$0x1A800] =	vst v63  }
0x20: {  	_ = 	snop  }
0x21: {  	[spmem:s2] =	stream.indirect.scatter.add.f32 [tilespmem:s12], [sflag:$0x1], $0x80, s14, s13, $0xb8;
	[tilespmem:$0x1A800] =	vst v63  }
0x22: {  	_ = 	snop  }
0x23: {  	[spmem:s2] =	stream.indirect.scatter.add.f32 [tilespmem:s12], [sflag:$0x1], $0x80, s15, s13, $0xb8;
	[tilespmem:$0x1A800] =	vst v63  }
0x24: {  	s18 =	simm.s32 $0x200  }
0x25: {  	[spmem:s2] =	stream.indirect.scatter.add.f32 [tilespmem:s12], [sflag:$0x1], $0x80, s18, s13, $0xb8;
	[tilespmem:$0x1A800] =	vst v63  }
0x26: {  	_ =	swait.ge [sflag:s16], $0x4000  }
0x27: {  	s18 =	simm.s32 $0xA00;
	[sflag:s16] =	ssyncset.done $0x0  }
.LBB2_2:
0x28: {  	s19 =	sshra.s32 s18, $0x2;
	[sflag:s16] =	ssyncadd.s32 $0xFFFFC000;
	p0 =	sne.s32 s18, $0x9C00  }
0x29: {  	[spmem:s2] =	stream.indirect.scatter.add.f32 [tilespmem:s12], [sflag:$0x1], $0x80, s19, s13, $0xb8;
	[tilespmem:$0x1A800] =	vst v63  }
.Ltmp0:
0x2a: {  	_ = 	snop;
	(pc) =	sbr.rel @p0 .LBB2_2-.Ltmp0, $4  }
0x2b: {  	_ = 	snop  }
0x2c: {  	s18 =	sadd.s32 $0x200, s18  }
0x2d: {  	_ =	swait.ge [sflag:s16], $0x4000  }
0x2e: {  	[sflag:s16] =	ssyncset.done $0x0  }
0x2f: {  	[sflag:s16] =	ssyncadd.s32 $0xFFFFC000  }
0x30: {  	_ =	swait.ge [sflag:s16], $0x4000  }
0x31: {  	[sflag:s16] =	ssyncset.done $0x0  }
0x32: {  	[sflag:s16] =	ssyncadd.s32 $0xFFFFC000  }
0x33: {  	_ =	swait.ge [sflag:s16], $0x4000  }
0x34: {  	[sflag:s16] =	ssyncset.done $0x0  }
0x35: {  	[sflag:s16] =	ssyncadd.s32 $0xFFFFC000  }
0x36: {  	_ =	swait.ge [sflag:s16], $0x4000  }
0x37: {  	[sflag:s16] =	ssyncset.done $0x0  }
0x38: {  	[sflag:s16] =	ssyncadd.s32 $0xFFFFC000  }
0x39: {  	_ =	swait.ge [sflag:s16], $0x4000  }
0x3a: {  	s17 =	sadd.s32 $0x1, s17;
	[sflag:s16] =	ssyncset.done $0x0  }
0x3b: {  	p0 =	sne.s32 s17, s9;
	[sflag:s16] =	ssyncadd.s32 $0xFFFFC000  }
.Ltmp1:
0x3c: {  	[bflag:$0x0] =	sbarrier.arrive $0xFFFF;
	(pc) =	sbr.rel @p0 .LBB2_1-.Ltmp1, $4  }
0x3d: {  	[hbm:s8], [sflag:s6] =	dma.local [spmem:s10], $0x2800  }
0x3e: {  	_ =	swait.ge [sflag:s11], $0x2800  }
0x3f: {  	[sflag:s11] =	ssyncset.done $0x0  }
0x40: {  	[sflag:s11] =	ssyncadd.s32 $0xFFFFD800  }
0x41: {  	_ =	sfence.sel $0x180000  }
0x42: {  	[bflag:$0x0] =	sbarrier.arrive $0xFFFF  }
0x43: {  	p0 =	sne.s32 s1, $0x0;
	_ =	strace $0x90000047  }
0x44: {  	s0 =	sadd.s32 @!p0 $0x100000, s0;
	[bflag:$0x2] =	sbarrier.arrive $0xFFFF  }
0x45: {  	[sflag:s0] =	ssyncadd.tile.s32 @!p0 $0x1;
	_ =	shalt  }
.Lfunc_end2:
_tile_overlayer_lowered:
.L_overlay_start_2:
0x46: {  	(tag) =	ssettag $0x2  }
0x47: {  	s0 =	rddreg [dreg:$0x0];
	s2 =	stileid.u32  }
0x48: {  	s1 =	rddreg [dreg:$0x1];
	p0 =	sne.s32 s2, $0x0  }
0x49: {  	s3 =	rddreg [dreg:$0x2];
	[bflag:$0x3] =	sbarrier.arrive $0xFFFF;
	s2 =	simm.s32 @!p0 $0x1C02  }
0x4a: {  	[timem:s3], [sflag:s2] =	dma.local @!p0 [hbm:s0], s1  }
0x4b: {  	s0 =	simm.s32 @!p0 $0x2  }
0x4c: {  	_ =	swait.ge @!p0 [sflag:s0], s1  }
0x4d: {  	s1 =	ssub.s32 @!p0 $0x0, s1;
	[sflag:s0] =	ssyncset.done @!p0 $0x0  }
0x4e: {  	[sflag:s0] =	ssyncadd.s32 @!p0 s1  }
0x4f: {  	[bflag:$0x3] =	sbarrier.arrive $0xFFFF  }
0x50: {  	_ =	shalt  }

// kernel: kernel.13.cloned.1.call-start
scs
__scs_entry_jumppad:
0x0: {  	(pc) =	sbr.rel $0x88, $3  }
0x1: {  	(tag) =	ssettag $0x0;
	lr =	simm.s32 $0x1  }
0x2: {  	[smem:$0x3F99] =	sst lr;
	_ =	strace $0xD0000000  }
0x3: {  	_ = 	snop  }
0x4: {  	_ = 	snop  }
0x5: {  	_ = 	snop  }
0x6: {  	_ = 	snop  }
0x7: {  	_ = 	snop  }
__scs_overlays_trampoline_lowered:
0x8: {  	[smem:$0x3FA8] =	sst s0  }
0x9: {  	[smem:$0x3FA9] =	sst s1  }
0xa: {  	[smem:$0x3FAA] =	sst s2  }
0xb: {  	[smem:$0x3FAB] =	sst s3  }
0xc: {  	[smem:$0x3FAC] =	sst s4  }
0xd: {  	[smem:$0x3FAD] =	sst s5  }
0xe: {  	[smem:$0x3FAE] =	sst s6  }
0xf: {  	[smem:$0x3FAF] =	sst s7  }
0x10: {  	[smem:$0x3FB0] =	sst s8  }
0x11: {  	[smem:$0x3FB1] =	sst s9;
	s0 =	simm.s32 @!p0 $0x0  }
0x12: {  	s1 =	sld [smem:$0x3F97];
	s0 =	simm.s32 @p0 $0x1  }
0x13: {  	[smem:$0x3FB2] =	sst s0;
	s0 =	simm.s32 @!p1 $0x0  }
0x14: {  	s2 =	sld [smem:$0x3F96];
	s0 =	simm.s32 @p1 $0x1  }
0x15: {  	[smem:$0x3FB3] =	sst s0;
	s0 =	simm.s32 @!p2 $0x0  }
0x16: {  	s3 =	sld [smem:$0x3FDB];
	s0 =	simm.s32 @p2 $0x1  }
0x17: {  	s4 =	simm.s32 $0x1BF5;
	[smem:$0x3FB5] =	sst s0  }
0x18: {  	s0 =	sld [smem:$0x3F98];
	_ =	swait.ge [sflag:s4], $0x0  }
0x19: {  	s7 =	sld [smem:$0x3F99]  }
0x1a: {  	s8 =	sadd.s32 $0xFFFFE003, lr  }
0x1b: {  	s9 =	sadd.s32 $0xFFFFFEF7, lr;
	s5 =	simm.s32 $0xFFFFFFFF;
	p2 =	slt.u32 s8, $0xFFFFF086  }
0x1c: {  	p1 =	slt.u32 s9, $0xF7A;
	s5 =	simm.s32 @!p2 $0x0  }
0x1d: {  	s5 =	simm.s32 @p1 $0x1;
	p0 =	seq.s32 s7, s2  }
0x1e: {  	s7 =	smul.u32 @!p0 $0xF7A, s2;
	p2 =	seq.s32 @!p0 s5, $0x0  }
0x1f: {  	s9 =	smul.u32 $0xF7A, s1;
	s8 =	simm.s32 @!p0 $0x1BF5;
	p2 =	por !p2, p0  }
0x20: {  	[sflag:s8] =	ssyncset.s32 @!p0 $0xFFFFF086;
	s6 =	sadd.s32 @!p0 s3, s7;
	s7 =	simm.s32 @!p0 $0x108  }
0x21: {  	s3 =	sadd.s32 s3, s9;
	s6 =	sadd.s32 @!p0 $0x88, s6;
	s7 =	simm.s32 @p2 $0x1082  }
0x22: {  	[simem:s7], [sflag:s8] =	dma.local @!p0 [hbm:s6], $0xF7A  }
0x23: {  	s9 =	sor.u32 $0xD0000000, s2;
	s6 =	simm.s32 $0x108;
	_ =	swait.ge @!p0 [sflag:s8], $0x0  }
0x24: {  	s3 =	sadd.s32 $0x88, s3;
	s6 =	simm.s32 @!p1 $0x1082;
	[sflag:s4] =	ssyncset.s32 $0xFFFFF086  }
0x25: {  	[simem:s6], [sflag:s4] =	dma.local [hbm:s3], $0xF7A  }
0x26: {  	[smem:$0x3F99] =	sst s1;
	(tag) =	ssettag s2;
	_ =	strace s9  }
0x27: {  	s1 =	sld [smem:$0x3FA9]  }
0x28: {  	s2 =	sld [smem:$0x3FAA]  }
0x29: {  	s4 =	sld [smem:$0x3FAC]  }
0x2a: {  	p0 =	seq.s32 s5, $0x0;
	s5 =	sld [smem:$0x3FAD]  }
0x2b: {  	s6 =	sld [smem:$0x3FAE]  }
0x2c: {  	s7 =	sld [smem:$0x3FAF]  }
0x2d: {  	s3 =	simm.s32 $0x108;
	s8 =	sld [smem:$0x3FB0]  }
0x2e: {  	s3 =	simm.s32 @!p0 $0x1082;
	s9 =	sld [smem:$0x3FB1]  }
0x2f: {  	lr =	sadd.s32 s0, s3;
	s0 =	sld [smem:$0x3FA8]  }
0x30: {  	s3 =	sld [smem:$0x3FAB]  }
0x31: {  	[smem:$0x3FB4] =	sst s10  }
0x32: {  	s10 =	sld [smem:$0x3FB2];
	_ =	sdelay $0x3  }
0x33: {  	p0 =	seq.s32 s10, $0x1;
	s10 =	sld [smem:$0x3FB4];
	_ =	sdelay $0x3  }
0x34: {  	[smem:$0x3FB4] =	sst s10  }
0x35: {  	s10 =	sld [smem:$0x3FB3];
	_ =	sdelay $0x3  }
0x36: {  	p1 =	seq.s32 s10, $0x1;
	s10 =	sld [smem:$0x3FB4];
	_ =	sdelay $0x3  }
0x37: {  	[smem:$0x3FB4] =	sst s10  }
0x38: {  	s10 =	sld [smem:$0x3FB5]  }
0x39: {  	_ = 	snop;
	(pc) =	sbr.ind lr, $3  }
0x3a: {  	_ = 	snop  }
0x3b: {  	_ = 	snop  }
0x3c: {  	p2 =	seq.s32 s10, $0x1;
	s10 =	sld [smem:$0x3FB4]  }
0x3d: {  	_ =	shalt  }
0x3e: {  	_ =	shalt  }
0x3f: {  	_ =	shalt  }
0x40: {  	_ =	shalt  }
0x41: {  	_ =	shalt  }
0x42: {  	_ =	shalt  }
0x43: {  	_ =	shalt  }
0x44: {  	_ =	shalt  }
0x45: {  	_ =	shalt  }
0x46: {  	_ =	shalt  }
0x47: {  	_ =	shalt  }
0x48: {  	_ =	shalt  }
0x49: {  	_ =	shalt  }
0x4a: {  	_ =	shalt  }
0x4b: {  	_ =	shalt  }
0x4c: {  	_ =	shalt  }
0x4d: {  	_ =	shalt  }
0x4e: {  	_ =	shalt  }
0x4f: {  	_ =	shalt  }
0x50: {  	_ =	shalt  }
0x51: {  	_ =	shalt  }
0x52: {  	_ =	shalt  }
0x53: {  	_ =	shalt  }
0x54: {  	_ =	shalt  }
0x55: {  	_ =	shalt  }
0x56: {  	_ =	shalt  }
0x57: {  	_ =	shalt  }
0x58: {  	_ =	shalt  }
0x59: {  	_ =	shalt  }
0x5a: {  	_ =	shalt  }
0x5b: {  	_ =	shalt  }
0x5c: {  	_ =	shalt  }
0x5d: {  	_ =	shalt  }
0x5e: {  	_ =	shalt  }
0x5f: {  	_ =	shalt  }
0x60: {  	_ =	shalt  }
0x61: {  	_ =	shalt  }
0x62: {  	_ =	shalt  }
0x63: {  	_ =	shalt  }
0x64: {  	_ =	shalt  }
0x65: {  	_ =	shalt  }
0x66: {  	_ =	shalt  }
0x67: {  	_ =	shalt  }
0x68: {  	_ =	shalt  }
0x69: {  	_ =	shalt  }
0x6a: {  	_ =	shalt  }
0x6b: {  	_ =	shalt  }
0x6c: {  	_ =	shalt  }
0x6d: {  	_ =	shalt  }
0x6e: {  	_ =	shalt  }
0x6f: {  	_ =	shalt  }
0x70: {  	_ =	shalt  }
0x71: {  	_ =	shalt  }
0x72: {  	_ =	shalt  }
0x73: {  	_ =	shalt  }
0x74: {  	_ =	shalt  }
0x75: {  	_ =	shalt  }
0x76: {  	_ =	shalt  }
0x77: {  	_ =	shalt  }
0x78: {  	_ =	shalt  }
0x79: {  	_ =	shalt  }
0x7a: {  	_ =	shalt  }
0x7b: {  	_ =	shalt  }
0x7c: {  	_ =	shalt  }
0x7d: {  	_ =	shalt  }
0x7e: {  	_ =	shalt  }
0x7f: {  	_ =	shalt  }
0x80: {  	_ =	shalt  }
0x81: {  	_ =	shalt  }
0x82: {  	_ =	shalt  }
0x83: {  	_ =	shalt  }
0x84: {  	_ =	shalt  }
0x85: {  	_ =	shalt  }
0x86: {  	_ =	shalt  }
0x87: {  	_ =	shalt  }
.Lfunc_end0:
.L_simem_size_0:
called_computation.1_lowered:
.L_overlay_start_0:
0x88: {  	s2 =	sld [smem:$0x3FD9]  }
0x89: {  	s3 =	sld [smem:$0x3FFE];
	_ =	sdelay $0x1  }
0x8a: {  	s1 =	srdreg.scid  }
0x8b: {  	s0 =	sand.u32 $0x1, s1  }
0x8c: {  	s17 =	sshll.u32 s0, $0xA;
	s2 =	sadd.s32 s3, s2  }
0x8d: {  	s2 =	sadd.s32 s2, s17  }
0x8e: {  	[smem:$0x3FC0] =	sst s2  }
0x8f: {  	_ = 	snop  }
0x90: {  	s2 =	sld [smem:$0x3FD0];
	(tm) =	ssettm $0x1  }
0x91: {  	s18 =	sld [smem:$0x3FFB];
	_ =	sdelay $0x3  }
0x92: {  	_ =	strace s18  }
0x93: {  	s3 =	sld [smem:$0x3FFC];
	_ =	sdelay $0x3  }
0x94: {  	_ =	strace s3  }
0x95: {  	s3 =	sld [smem:$0x3FFD];
	_ =	sdelay $0x3  }
0x96: {  	_ =	strace s3  }
0x97: {  	_ =	strace $0x8FFFFFFF  }
0x98: {  	s19 =	sld [smem:$0x3FDB];
	_ =	sdelay $0x1  }
0x99: {  	s4 =	simm.s32 $_scs_section_size  }
0x9a: {  	s5 =	simm.s32 $_size__tile_overlayer_lowered;
	s6 =	simm.s32 $_tile_overlayer_lowered  }
0x9b: {  	s22 =	simm.s32 $0x1BFF;
	s21 =	sshll.u32 s6, $0x1;
	s3 =	sadd.s32 s4, s19  }
0x9c: {  	s7 =	simm.s32 $0x0;
	s20 =	sshll.u32 s5, $0x1;
	s5 =	sadd.s32 s21, s3  }
0x9d: {  	[timem:s7], [sflag:s22] =	dma.local [hbm:s5], s20  }
0x9e: {  	_ =	swait.ge [sflag:s22], s20  }
0x9f: {  	s4 =	ssub.s32 $0x0, s20;
	[sflag:s22] =	ssyncset.done $0x0  }
0xa0: {  	[sflag:s22] =	ssyncadd.s32 s4;
	_ =	sdelay $0x1  }
0xa1: {  	s23 =	simm.s32 $0x1B8B  }
0xa2: {  	_ =	swait.ge [sflag:s23], $0x1  }
0xa3: {  	[sflag:s23] =	ssyncset.done $0x0  }
0xa4: {  	s25 =	simm.s32 $0x1B8E;
	s24 =	sld [smem:$0x3FFE];
	[sflag:s23] =	ssyncadd.s32 $0xFFFFFFFF  }
0xa5: {  	s26 =	simm.s32 $execute0_lowered;
	[smem:$0x3FD2] =	sst s25  }
0xa6: {  	s5 =	sshll.u32 s26, $0x1;
	_ =	strace $0x80000049;
	[dreg:$0x1] =	wrdreg $0xFFFFFFFF  }
0xa7: {  	s28 =	simm.s32 $_size_execute0_lowered;
	s3 =	sadd.s32 s3, s5;
	[dreg:$0x0] =	wrdreg $0x0  }
0xa8: {  	s5 =	sshll.u32 s28, $0x1;
	[dreg:$0x2] =	wrdreg s3  }
0xa9: {  	[dreg:$0x3] =	wrdreg s5  }
0xaa: {  	[dreg:$0x4] =	wrdreg $0xC0  }
0xab: {  	_ =	task [dreg:s7], $0x5FFFF  }
0xac: {  	[dreg:$0x1] =	wrdreg $0xFFFFFFFF  }
0xad: {  	[dreg:$0x0] =	wrdreg $0x60  }
0xae: {  	[dreg:$0x2] =	wrdreg s24  }
0xaf: {  	[dreg:$0x3] =	wrdreg s2  }
0xb0: {  	[dreg:$0x4] =	wrdreg $0x90000  }
0xb1: {  	[dreg:$0x5] =	wrdreg $0x9  }
0xb2: {  	_ =	task.clear_ibuf [dreg:s7], $0x6FFFF;
	_ =	strace $0x90000049  }
0xb3: {  	s29 =	simm.s32 $0x9;
	_ =	strace $0x8000004B  }
0xb4: {  	_ =	swait.ge [sflag:s29], $0x1  }
0xb5: {  	[sflag:s29] =	ssyncadd.s32 $0xFFFFFFFF  }
0xb6: {  	_ =	strace $0x9000004B  }
0xb7: {  	_ =	sfence  }
0xb8: {  	s30 =	sld [smem:$0x0];
	_ =	sdelay $0x2  }
0xb9: {  	s31 =	sshll.u32 s1, $0xD;
	s1 =	sshrl.u32 s1, $0x2  }
0xba: {  	s3 =	sand.u32 $0x4000, s31;
	s1 =	sadd.s32 s1, s30  }
0xbb: {  	s0 =	sor.u32 s3, s0;
	s1 =	sshll.u32 s1, $0x11  }
0xbc: {  	s0 =	sor.u32 s1, s0  }
0xbd: {  	s0 =	sadd.s32 $0x8F2B, s0  }
0xbe: {  	[sflag:s0] =	ssyncadd.remote.s32 $0x1  }
0xbf: {  	_ =	sfence.sel $0xFFFF  }
0xc0: {  	[dreg:$0x0] =	wrdreg $0xFFFFFFFF;
	(pc) =	sbr.abs _section_cstart, $3  }
0xc1: {  	[dreg:$0x1] =	wrdreg $0xFFFFFFFF  }
0xc2: {  	_ =	task.clear_ibuf [dreg:s7], $0x2FFFF;
	_ =	strace $0x9FFFFFFF  }
0xc3: {  	(tm) =	ssettm $0x7FFFFFFF  }
tec
execute0_lowered:
.L_overlay_start_1:
0x0: {  	(tag) =	ssettag $0x1  }
0x1: {  	s6 =	rddreg [dreg:$0x0]  }
0x2: {  	s1 =	srdreg.scid;
	s8 =	rddreg [dreg:$0x1]  }
0x3: {  	s0 =	stileid.u32;
	s2 =	rddreg [dreg:$0x2];
	s3 =	simm.s32 $0x0  }
0x4: {  	s14 =	simm.s32 $0x80;
	s15 =	simm.s32 $0x5000;
	s16 =	simm.s32 $0x1  }
0x5: {  	s17 =	simm.s32 $0x0;
	s7 =	sand.u32 $0x1, s1;
	s1 =	rddreg [dreg:$0x3]  }
0x6: {  	s26 =	sshll.u32 s0, $0x1;
	[smem:$0x7FF] =	sst s3;
	s10 =	smul.u32 $0x2800, s0  }
0x7: {  	s13 =	smul.u32 $0x50000, s0;
	s5 =	sadd.s32 $0x2A00, s6;
	s31 =	sshll.u32 s0, $0x6  }
0x8: {  	s4 =	sor.u32 s7, s26;
	_ =	strace $0x8000004A;
	s11 =	smul.u32 $0x28000, s7  }
0x9: {  	s7 =	ssub.s32 $0x2, s7;
	s9 =	smul.u32 $0x500, s4;
	s4 =	sadd.s32 $0x5200, s6  }
0xa: {  	s28 =	sshrl.u32 s7, $0x1;
	s29 =	sshrl.u32 s13, $0x2;
	s13 =	simm.s32 $0x2800  }
0xb: {  	s10 =	sadd.s32 s10, s11;
	s30 =	ssub.s32 s7, s28;
	s11 =	sadd.s32 s29, s2  }
0xc: {  	s12 =	sadd.s32 s9, s6;
	s10 =	sadd.s32 s10, s6;
	s6 =	sor.u32 $0x1C02, s31  }
0xd: {  	s8 =	sadd.s32 s8, s9;
	s11 =	sshrl.u32 s11, $0x3;
	s7 =	sadd.s32 $0x55A00, s12  }
0xe: {  	s9 =	sadd.s32 $0x5FA00, s10;
	s10 =	smax.u32 s30, $0x1;
	s12 =	simm.s32 $0x2  }
.LBB2_1:
0xf: {  	[spmem:s11], [sflag:s6] =	dma.local [hbm:s5], $0x2800  }
0x10: {  	_ =	swait.ge [sflag:s12], $0x2800  }
0x11: {  	[sflag:s12] =	ssyncset.done $0x0  }
0x12: {  	[sflag:s12] =	ssyncadd.s32 $0xFFFFD800  }
0x13: {  	[tilespmem:s3], [sflag:$0x2] =	stream.linear.gather [hbm4b:s7+s3], $0x2780, $0x38;
	[tilespmem:$0x1D000] =	vst v63  }
0x14: {  	_ =	swait.ge [sflag:s12], $0x2780  }
0x15: {  	[sflag:s12] =	ssyncset.done $0x0  }
0x16: {  	[sflag:s12] =	ssyncadd.s32 $0xFFFFD880  }
0x17: {  	[tilespmem:s13], [sflag:$0x2] =	stream.linear.gather [hbm4b:s8+s3], $0x2780, $0x38;
	[tilespmem:$0x1D000] =	vst v63  }
0x18: {  	_ =	swait.ge [sflag:s12], $0x2780  }
0x19: {  	[sflag:s12] =	ssyncset.done $0x0  }
0x1a: {  	[sflag:s12] =	ssyncadd.s32 $0xFFFFD880  }
0x1b: {  	s18 =	simm.s32 $0x0;
	[bflag:$0x0] =	sbarrier.arrive $0xFFFF  }
0x1c: {  	[tilespmem:s15], [sflag:$0x1] =	stream.indirect.gather [hbm4b:s4+s14], $0x80, s18, s14, $0xb8;
	[tilespmem:$0x1D000] =	vst v63  }
0x1d: {  	_ =	swait.ge [sflag:s16], $0x4000  }
0x1e: {  	[sflag:s16] =	ssyncset.done $0x0  }
0x1f: {  	s31 =	simm.s32 $0x2800;
	[sflag:s16] =	ssyncadd.s32 $0xFFFFC000  }
0x20: {  	[spmem:s2] =	stream.indirect.scatter.add.f32 [tilespmem:s15], [sflag:$0x2], $0x80, s31, s14, $0xb8;
	[tilespmem:$0x1D000] =	vst v63  }
0x21: {  	_ =	swait.ge [sflag:s12], $0x4000  }
0x22: {  	s19 =	simm.s32 $0x400;
	s18 =	simm.s32 $0x200;
	[sflag:s12] =	ssyncset.done $0x0  }
.LBB2_2:
0x23: {  	s20 =	sshra.s32 s18, $0x2  }
0x24: {  	[sflag:s12] =	ssyncadd.s32 $0xFFFFC000;
	s18 =	smov.u32 s19;
	s21 =	sadd.s32 $0x200, s19  }
0x25: {  	[tilespmem:s15], [sflag:$0x1] =	stream.indirect.gather [hbm4b:s4+s14], $0x80, s20, s14, $0xb8;
	[tilespmem:$0x1D000] =	vst v63  }
0x26: {  	p0 =	sne.s32 s19, $0x9C00;
	_ =	swait.ge [sflag:s16], $0x4000  }
.Ltmp0:
0x27: {  	[sflag:s16] =	ssyncset.done $0x0;
	(pc) =	sbr.rel @p0 .LBB2_2-.Ltmp0, $4  }
0x28: {  	s19 =	sadd.s32 $0x2800, s20;
	[sflag:s16] =	ssyncadd.s32 $0xFFFFC000  }
0x29: {  	[spmem:s2] =	stream.indirect.scatter.add.f32 [tilespmem:s15], [sflag:$0x2], $0x80, s19, s14, $0xb8;
	[tilespmem:$0x1D000] =	vst v63  }
0x2a: {  	_ =	swait.ge [sflag:s12], $0x4000  }
0x2b: {  	s19 =	smov.u32 s21;
	[sflag:s12] =	ssyncset.done $0x0  }
0x2c: {  	s18 =	sshra.s32 s18, $0x2;
	[sflag:s12] =	ssyncadd.s32 $0xFFFFC000  }
0x2d: {  	[tilespmem:s15], [sflag:$0x1] =	stream.indirect.gather [hbm4b:s4+s14], $0x80, s18, s14, $0xb8;
	[tilespmem:$0x1D000] =	vst v63  }
0x2e: {  	_ =	swait.ge [sflag:s16], $0x4000  }
0x2f: {  	[sflag:s16] =	ssyncset.done $0x0  }
0x30: {  	s18 =	sadd.s32 $0x2800, s18;
	[sflag:s16] =	ssyncadd.s32 $0xFFFFC000  }
0x31: {  	[spmem:s2] =	stream.indirect.scatter.add.f32 [tilespmem:s15], [sflag:$0x2], $0x80, s18, s14, $0xb8;
	[tilespmem:$0x1D000] =	vst v63  }
0x32: {  	_ =	swait.ge [sflag:s12], $0x4000  }
0x33: {  	s17 =	sadd.s32 $0x1, s17;
	[sflag:s12] =	ssyncset.done $0x0  }
0x34: {  	p0 =	sne.s32 s17, s10;
	[sflag:s12] =	ssyncadd.s32 $0xFFFFC000  }
.Ltmp1:
0x35: {  	[bflag:$0x0] =	sbarrier.arrive $0xFFFF;
	(pc) =	sbr.rel @p0 .LBB2_1-.Ltmp1, $4  }
0x36: {  	[hbm:s9], [sflag:s6] =	dma.local [spmem:s11], $0x2800  }
0x37: {  	_ =	swait.ge [sflag:s12], $0x2800  }
0x38: {  	[sflag:s12] =	ssyncset.done $0x0  }
0x39: {  	[sflag:s12] =	ssyncadd.s32 $0xFFFFD800  }
0x3a: {  	_ =	sfence.sel $0x180000  }
0x3b: {  	[bflag:$0x0] =	sbarrier.arrive $0xFFFF  }
0x3c: {  	p0 =	sne.s32 s0, $0x0;
	_ =	strace $0x9000004A  }
0x3d: {  	s0 =	sadd.s32 @!p0 $0x100000, s1;
	[bflag:$0x2] =	sbarrier.arrive $0xFFFF  }
0x3e: {  	[sflag:s0] =	ssyncadd.tile.s32 @!p0 $0x1;
	_ =	shalt  }
.Lfunc_end2:
_tile_overlayer_lowered:
.L_overlay_start_2:
0x3f: {  	(tag) =	ssettag $0x2  }
0x40: {  	s0 =	rddreg [dreg:$0x0];
	s2 =	stileid.u32  }
0x41: {  	s1 =	rddreg [dreg:$0x1];
	p0 =	sne.s32 s2, $0x0  }
0x42: {  	s3 =	rddreg [dreg:$0x2];
	[bflag:$0x3] =	sbarrier.arrive $0xFFFF;
	s2 =	simm.s32 @!p0 $0x1C02  }
0x43: {  	[timem:s3], [sflag:s2] =	dma.local @!p0 [hbm:s0], s1  }
0x44: {  	s0 =	simm.s32 @!p0 $0x2  }
0x45: {  	_ =	swait.ge @!p0 [sflag:s0], s1  }
0x46: {  	s1 =	ssub.s32 @!p0 $0x0, s1;
	[sflag:s0] =	ssyncset.done @!p0 $0x0  }
0x47: {  	[sflag:s0] =	ssyncadd.s32 @!p0 s1  }
0x48: {  	[bflag:$0x3] =	sbarrier.arrive $0xFFFF  }
0x49: {  	_ =	shalt  }

// kernel: kernel.16.cloned.1.call-start
scs
__scs_entry_jumppad:
0x0: {  	(pc) =	sbr.rel $0x88, $3  }
0x1: {  	(tag) =	ssettag $0x0;
	lr =	simm.s32 $0x1  }
0x2: {  	[smem:$0x3F99] =	sst lr;
	_ =	strace $0xD0000000  }
0x3: {  	_ = 	snop  }
0x4: {  	_ = 	snop  }
0x5: {  	_ = 	snop  }
0x6: {  	_ = 	snop  }
0x7: {  	_ = 	snop  }
__scs_overlays_trampoline_lowered:
0x8: {  	[smem:$0x3FA8] =	sst s0  }
0x9: {  	[smem:$0x3FA9] =	sst s1  }
0xa: {  	[smem:$0x3FAA] =	sst s2  }
0xb: {  	[smem:$0x3FAB] =	sst s3  }
0xc: {  	[smem:$0x3FAC] =	sst s4  }
0xd: {  	[smem:$0x3FAD] =	sst s5  }
0xe: {  	[smem:$0x3FAE] =	sst s6  }
0xf: {  	[smem:$0x3FAF] =	sst s7  }
0x10: {  	[smem:$0x3FB0] =	sst s8  }
0x11: {  	[smem:$0x3FB1] =	sst s9;
	s0 =	simm.s32 @!p0 $0x0  }
0x12: {  	s1 =	sld [smem:$0x3F97];
	s0 =	simm.s32 @p0 $0x1  }
0x13: {  	[smem:$0x3FB2] =	sst s0;
	s0 =	simm.s32 @!p1 $0x0  }
0x14: {  	s2 =	sld [smem:$0x3F96];
	s0 =	simm.s32 @p1 $0x1  }
0x15: {  	[smem:$0x3FB3] =	sst s0;
	s0 =	simm.s32 @!p2 $0x0  }
0x16: {  	s3 =	sld [smem:$0x3FDB];
	s0 =	simm.s32 @p2 $0x1  }
0x17: {  	s4 =	simm.s32 $0x1BF5;
	[smem:$0x3FB5] =	sst s0  }
0x18: {  	s0 =	sld [smem:$0x3F98];
	_ =	swait.ge [sflag:s4], $0x0  }
0x19: {  	s7 =	sld [smem:$0x3F99]  }
0x1a: {  	s8 =	sadd.s32 $0xFFFFE003, lr  }
0x1b: {  	s9 =	sadd.s32 $0xFFFFFEF7, lr;
	s5 =	simm.s32 $0xFFFFFFFF;
	p2 =	slt.u32 s8, $0xFFFFF086  }
0x1c: {  	p1 =	slt.u32 s9, $0xF7A;
	s5 =	simm.s32 @!p2 $0x0  }
0x1d: {  	s5 =	simm.s32 @p1 $0x1;
	p0 =	seq.s32 s7, s2  }
0x1e: {  	s7 =	smul.u32 @!p0 $0xF7A, s2;
	p2 =	seq.s32 @!p0 s5, $0x0  }
0x1f: {  	s9 =	smul.u32 $0xF7A, s1;
	s8 =	simm.s32 @!p0 $0x1BF5;
	p2 =	por !p2, p0  }
0x20: {  	[sflag:s8] =	ssyncset.s32 @!p0 $0xFFFFF086;
	s6 =	sadd.s32 @!p0 s3, s7;
	s7 =	simm.s32 @!p0 $0x108  }
0x21: {  	s3 =	sadd.s32 s3, s9;
	s6 =	sadd.s32 @!p0 $0x88, s6;
	s7 =	simm.s32 @p2 $0x1082  }
0x22: {  	[simem:s7], [sflag:s8] =	dma.local @!p0 [hbm:s6], $0xF7A  }
0x23: {  	s9 =	sor.u32 $0xD0000000, s2;
	s6 =	simm.s32 $0x108;
	_ =	swait.ge @!p0 [sflag:s8], $0x0  }
0x24: {  	s3 =	sadd.s32 $0x88, s3;
	s6 =	simm.s32 @!p1 $0x1082;
	[sflag:s4] =	ssyncset.s32 $0xFFFFF086  }
0x25: {  	[simem:s6], [sflag:s4] =	dma.local [hbm:s3], $0xF7A  }
0x26: {  	[smem:$0x3F99] =	sst s1;
	(tag) =	ssettag s2;
	_ =	strace s9  }
0x27: {  	s1 =	sld [smem:$0x3FA9]  }
0x28: {  	s2 =	sld [smem:$0x3FAA]  }
0x29: {  	s4 =	sld [smem:$0x3FAC]  }
0x2a: {  	p0 =	seq.s32 s5, $0x0;
	s5 =	sld [smem:$0x3FAD]  }
0x2b: {  	s6 =	sld [smem:$0x3FAE]  }
0x2c: {  	s7 =	sld [smem:$0x3FAF]  }
0x2d: {  	s3 =	simm.s32 $0x108;
	s8 =	sld [smem:$0x3FB0]  }
0x2e: {  	s3 =	simm.s32 @!p0 $0x1082;
	s9 =	sld [smem:$0x3FB1]  }
0x2f: {  	lr =	sadd.s32 s0, s3;
	s0 =	sld [smem:$0x3FA8]  }
0x30: {  	s3 =	sld [smem:$0x3FAB]  }
0x31: {  	[smem:$0x3FB4] =	sst s10  }
0x32: {  	s10 =	sld [smem:$0x3FB2];
	_ =	sdelay $0x3  }
0x33: {  	p0 =	seq.s32 s10, $0x1;
	s10 =	sld [smem:$0x3FB4];
	_ =	sdelay $0x3  }
0x34: {  	[smem:$0x3FB4] =	sst s10  }
0x35: {  	s10 =	sld [smem:$0x3FB3];
	_ =	sdelay $0x3  }
0x36: {  	p1 =	seq.s32 s10, $0x1;
	s10 =	sld [smem:$0x3FB4];
	_ =	sdelay $0x3  }
0x37: {  	[smem:$0x3FB4] =	sst s10  }
0x38: {  	s10 =	sld [smem:$0x3FB5]  }
0x39: {  	_ = 	snop;
	(pc) =	sbr.ind lr, $3  }
0x3a: {  	_ = 	snop  }
0x3b: {  	_ = 	snop  }
0x3c: {  	p2 =	seq.s32 s10, $0x1;
	s10 =	sld [smem:$0x3FB4]  }
0x3d: {  	_ =	shalt  }
0x3e: {  	_ =	shalt  }
0x3f: {  	_ =	shalt  }
0x40: {  	_ =	shalt  }
0x41: {  	_ =	shalt  }
0x42: {  	_ =	shalt  }
0x43: {  	_ =	shalt  }
0x44: {  	_ =	shalt  }
0x45: {  	_ =	shalt  }
0x46: {  	_ =	shalt  }
0x47: {  	_ =	shalt  }
0x48: {  	_ =	shalt  }
0x49: {  	_ =	shalt  }
0x4a: {  	_ =	shalt  }
0x4b: {  	_ =	shalt  }
0x4c: {  	_ =	shalt  }
0x4d: {  	_ =	shalt  }
0x4e: {  	_ =	shalt  }
0x4f: {  	_ =	shalt  }
0x50: {  	_ =	shalt  }
0x51: {  	_ =	shalt  }
0x52: {  	_ =	shalt  }
0x53: {  	_ =	shalt  }
0x54: {  	_ =	shalt  }
0x55: {  	_ =	shalt  }
0x56: {  	_ =	shalt  }
0x57: {  	_ =	shalt  }
0x58: {  	_ =	shalt  }
0x59: {  	_ =	shalt  }
0x5a: {  	_ =	shalt  }
0x5b: {  	_ =	shalt  }
0x5c: {  	_ =	shalt  }
0x5d: {  	_ =	shalt  }
0x5e: {  	_ =	shalt  }
0x5f: {  	_ =	shalt  }
0x60: {  	_ =	shalt  }
0x61: {  	_ =	shalt  }
0x62: {  	_ =	shalt  }
0x63: {  	_ =	shalt  }
0x64: {  	_ =	shalt  }
0x65: {  	_ =	shalt  }
0x66: {  	_ =	shalt  }
0x67: {  	_ =	shalt  }
0x68: {  	_ =	shalt  }
0x69: {  	_ =	shalt  }
0x6a: {  	_ =	shalt  }
0x6b: {  	_ =	shalt  }
0x6c: {  	_ =	shalt  }
0x6d: {  	_ =	shalt  }
0x6e: {  	_ =	shalt  }
0x6f: {  	_ =	shalt  }
0x70: {  	_ =	shalt  }
0x71: {  	_ =	shalt  }
0x72: {  	_ =	shalt  }
0x73: {  	_ =	shalt  }
0x74: {  	_ =	shalt  }
0x75: {  	_ =	shalt  }
0x76: {  	_ =	shalt  }
0x77: {  	_ =	shalt  }
0x78: {  	_ =	shalt  }
0x79: {  	_ =	shalt  }
0x7a: {  	_ =	shalt  }
0x7b: {  	_ =	shalt  }
0x7c: {  	_ =	shalt  }
0x7d: {  	_ =	shalt  }
0x7e: {  	_ =	shalt  }
0x7f: {  	_ =	shalt  }
0x80: {  	_ =	shalt  }
0x81: {  	_ =	shalt  }
0x82: {  	_ =	shalt  }
0x83: {  	_ =	shalt  }
0x84: {  	_ =	shalt  }
0x85: {  	_ =	shalt  }
0x86: {  	_ =	shalt  }
0x87: {  	_ =	shalt  }
.Lfunc_end0:
.L_simem_size_0:
called_computation.2_lowered:
.L_overlay_start_0:
0x88: {  	s2 =	sld [smem:$0x3FD9]  }
0x89: {  	s3 =	sld [smem:$0x3FFE];
	_ =	sdelay $0x1  }
0x8a: {  	s1 =	srdreg.scid  }
0x8b: {  	s0 =	sand.u32 $0x1, s1  }
0x8c: {  	s17 =	sshll.u32 s0, $0xA;
	s2 =	sadd.s32 s3, s2  }
0x8d: {  	s2 =	sadd.s32 s2, s17  }
0x8e: {  	[smem:$0x3FC0] =	sst s2  }
0x8f: {  	_ = 	snop  }
0x90: {  	s2 =	sld [smem:$0x3FD0];
	(tm) =	ssettm $0x1  }
0x91: {  	s18 =	sld [smem:$0x3FFB];
	_ =	sdelay $0x3  }
0x92: {  	_ =	strace s18  }
0x93: {  	s3 =	sld [smem:$0x3FFC];
	_ =	sdelay $0x3  }
0x94: {  	_ =	strace s3  }
0x95: {  	s3 =	sld [smem:$0x3FFD];
	_ =	sdelay $0x3  }
0x96: {  	_ =	strace s3  }
0x97: {  	_ =	strace $0x8FFFFFFF  }
0x98: {  	s19 =	sld [smem:$0x3FDB];
	_ =	sdelay $0x1  }
0x99: {  	s4 =	simm.s32 $_scs_section_size  }
0x9a: {  	s5 =	simm.s32 $_size__tile_overlayer_lowered;
	s6 =	simm.s32 $_tile_overlayer_lowered  }
0x9b: {  	s22 =	simm.s32 $0x1BFF;
	s21 =	sshll.u32 s6, $0x1;
	s3 =	sadd.s32 s4, s19  }
0x9c: {  	s7 =	simm.s32 $0x0;
	s20 =	sshll.u32 s5, $0x1;
	s5 =	sadd.s32 s21, s3  }
0x9d: {  	[timem:s7], [sflag:s22] =	dma.local [hbm:s5], s20  }
0x9e: {  	_ =	swait.ge [sflag:s22], s20  }
0x9f: {  	s4 =	ssub.s32 $0x0, s20;
	[sflag:s22] =	ssyncset.done $0x0  }
0xa0: {  	[sflag:s22] =	ssyncadd.s32 s4;
	_ =	sdelay $0x1  }
0xa1: {  	s23 =	simm.s32 $0x1B8B  }
0xa2: {  	_ =	swait.ge [sflag:s23], $0x1  }
0xa3: {  	[sflag:s23] =	ssyncset.done $0x0  }
0xa4: {  	s25 =	simm.s32 $0x1B8E;
	s24 =	sld [smem:$0x3FFE];
	[sflag:s23] =	ssyncadd.s32 $0xFFFFFFFF  }
0xa5: {  	s26 =	simm.s32 $execute0_lowered;
	[smem:$0x3FD2] =	sst s25  }
0xa6: {  	s5 =	sshll.u32 s26, $0x1;
	_ =	strace $0x8000004C;
	[dreg:$0x1] =	wrdreg $0xFFFFFFFF  }
0xa7: {  	s28 =	simm.s32 $_size_execute0_lowered;
	s3 =	sadd.s32 s3, s5;
	[dreg:$0x0] =	wrdreg $0x0  }
0xa8: {  	s5 =	sshll.u32 s28, $0x1;
	[dreg:$0x2] =	wrdreg s3  }
0xa9: {  	[dreg:$0x3] =	wrdreg s5  }
0xaa: {  	[dreg:$0x4] =	wrdreg $0xC0  }
0xab: {  	_ =	task [dreg:s7], $0x5FFFF  }
0xac: {  	[dreg:$0x1] =	wrdreg $0xFFFFFFFF  }
0xad: {  	[dreg:$0x0] =	wrdreg $0x60  }
0xae: {  	[dreg:$0x2] =	wrdreg s24  }
0xaf: {  	[dreg:$0x3] =	wrdreg s2  }
0xb0: {  	[dreg:$0x4] =	wrdreg $0x90000  }
0xb1: {  	[dreg:$0x5] =	wrdreg $0x9  }
0xb2: {  	_ =	task.clear_ibuf [dreg:s7], $0x6FFFF;
	_ =	strace $0x9000004C  }
0xb3: {  	s29 =	simm.s32 $0x9;
	_ =	strace $0x8000004E  }
0xb4: {  	_ =	swait.ge [sflag:s29], $0x1  }
0xb5: {  	[sflag:s29] =	ssyncadd.s32 $0xFFFFFFFF  }
0xb6: {  	_ =	strace $0x9000004E  }
0xb7: {  	_ =	sfence  }
0xb8: {  	s30 =	sld [smem:$0x0];
	_ =	sdelay $0x2  }
0xb9: {  	s31 =	sshll.u32 s1, $0xD;
	s1 =	sshrl.u32 s1, $0x2  }
0xba: {  	s3 =	sand.u32 $0x4000, s31;
	s1 =	sadd.s32 s1, s30  }
0xbb: {  	s0 =	sor.u32 s3, s0;
	s1 =	sshll.u32 s1, $0x11  }
0xbc: {  	s0 =	sor.u32 s1, s0  }
0xbd: {  	s0 =	sadd.s32 $0x8F2B, s0  }
0xbe: {  	[sflag:s0] =	ssyncadd.remote.s32 $0x1  }
0xbf: {  	_ =	sfence.sel $0xFFFF  }
0xc0: {  	[dreg:$0x0] =	wrdreg $0xFFFFFFFF;
	(pc) =	sbr.abs _section_cstart, $3  }
0xc1: {  	[dreg:$0x1] =	wrdreg $0xFFFFFFFF  }
0xc2: {  	_ =	task.clear_ibuf [dreg:s7], $0x2FFFF;
	_ =	strace $0x9FFFFFFF  }
0xc3: {  	(tm) =	ssettm $0x7FFFFFFF  }
tec
execute0_lowered:
.L_overlay_start_1:
0x0: {  	(tag) =	ssettag $0x1  }
0x1: {  	s6 =	rddreg [dreg:$0x0]  }
0x2: {  	s1 =	srdreg.scid;
	s8 =	rddreg [dreg:$0x1]  }
0x3: {  	s0 =	stileid.u32;
	s2 =	rddreg [dreg:$0x2];
	s3 =	simm.s32 $0x0  }
0x4: {  	s14 =	simm.s32 $0x80;
	s15 =	simm.s32 $0x5000;
	s16 =	simm.s32 $0x1  }
0x5: {  	s17 =	simm.s32 $0x0;
	s7 =	sand.u32 $0x1, s1;
	s1 =	rddreg [dreg:$0x3]  }
0x6: {  	s26 =	sshll.u32 s0, $0x1;
	[smem:$0x7FF] =	sst s3;
	s10 =	smul.u32 $0x2800, s0  }
0x7: {  	s13 =	smul.u32 $0x50000, s0;
	s5 =	sadd.s32 $0x2A00, s6;
	s31 =	sshll.u32 s0, $0x6  }
0x8: {  	s4 =	sor.u32 s7, s26;
	_ =	strace $0x8000004D;
	s11 =	smul.u32 $0x28000, s7  }
0x9: {  	s7 =	ssub.s32 $0x2, s7;
	s9 =	smul.u32 $0x500, s4;
	s4 =	sadd.s32 $0x5200, s6  }
0xa: {  	s28 =	sshrl.u32 s7, $0x1;
	s29 =	sshrl.u32 s13, $0x2;
	s13 =	simm.s32 $0x2800  }
0xb: {  	s10 =	sadd.s32 s10, s11;
	s30 =	ssub.s32 s7, s28;
	s11 =	sadd.s32 s29, s2  }
0xc: {  	s12 =	sadd.s32 s9, s6;
	s10 =	sadd.s32 s10, s6;
	s6 =	sor.u32 $0x1C02, s31  }
0xd: {  	s8 =	sadd.s32 s8, s9;
	s11 =	sshrl.u32 s11, $0x3;
	s7 =	sadd.s32 $0x55A00, s12  }
0xe: {  	s9 =	sadd.s32 $0x5FA00, s10;
	s10 =	smax.u32 s30, $0x1;
	s12 =	simm.s32 $0x2  }
.LBB2_1:
0xf: {  	[spmem:s11], [sflag:s6] =	dma.local [hbm:s5], $0x2800  }
0x10: {  	_ =	swait.ge [sflag:s12], $0x2800  }
0x11: {  	[sflag:s12] =	ssyncset.done $0x0  }
0x12: {  	[sflag:s12] =	ssyncadd.s32 $0xFFFFD800  }
0x13: {  	[tilespmem:s3], [sflag:$0x2] =	stream.linear.gather [hbm4b:s7+s3], $0x2780, $0x38;
	[tilespmem:$0x1D000] =	vst v63  }
0x14: {  	_ =	swait.ge [sflag:s12], $0x2780  }
0x15: {  	[sflag:s12] =	ssyncset.done $0x0  }
0x16: {  	[sflag:s12] =	ssyncadd.s32 $0xFFFFD880  }
0x17: {  	[tilespmem:s13], [sflag:$0x2] =	stream.linear.gather [hbm4b:s8+s3], $0x2780, $0x38;
	[tilespmem:$0x1D000] =	vst v63  }
0x18: {  	_ =	swait.ge [sflag:s12], $0x2780  }
0x19: {  	[sflag:s12] =	ssyncset.done $0x0  }
0x1a: {  	[sflag:s12] =	ssyncadd.s32 $0xFFFFD880  }
0x1b: {  	s18 =	simm.s32 $0x0;
	[bflag:$0x0] =	sbarrier.arrive $0xFFFF  }
0x1c: {  	[tilespmem:s15], [sflag:$0x1] =	stream.indirect.gather [hbm4b:s4+s14], $0x80, s18, s14, $0xb8;
	[tilespmem:$0x1D000] =	vst v63  }
0x1d: {  	_ =	swait.ge [sflag:s16], $0x4000  }
0x1e: {  	[sflag:s16] =	ssyncset.done $0x0  }
0x1f: {  	s31 =	simm.s32 $0x2800;
	[sflag:s16] =	ssyncadd.s32 $0xFFFFC000  }
0x20: {  	[spmem:s2] =	stream.indirect.scatter.add.f32 [tilespmem:s15], [sflag:$0x2], $0x80, s31, s14, $0xb8;
	[tilespmem:$0x1D000] =	vst v63  }
0x21: {  	_ =	swait.ge [sflag:s12], $0x4000  }
0x22: {  	s19 =	simm.s32 $0x400;
	s18 =	simm.s32 $0x200;
	[sflag:s12] =	ssyncset.done $0x0  }
.LBB2_2:
0x23: {  	s20 =	sshra.s32 s18, $0x2  }
0x24: {  	[sflag:s12] =	ssyncadd.s32 $0xFFFFC000;
	s18 =	smov.u32 s19;
	s21 =	sadd.s32 $0x200, s19  }
0x25: {  	[tilespmem:s15], [sflag:$0x1] =	stream.indirect.gather [hbm4b:s4+s14], $0x80, s20, s14, $0xb8;
	[tilespmem:$0x1D000] =	vst v63  }
0x26: {  	p0 =	sne.s32 s19, $0x9C00;
	_ =	swait.ge [sflag:s16], $0x4000  }
.Ltmp0:
0x27: {  	[sflag:s16] =	ssyncset.done $0x0;
	(pc) =	sbr.rel @p0 .LBB2_2-.Ltmp0, $4  }
0x28: {  	s19 =	sadd.s32 $0x2800, s20;
	[sflag:s16] =	ssyncadd.s32 $0xFFFFC000  }
0x29: {  	[spmem:s2] =	stream.indirect.scatter.add.f32 [tilespmem:s15], [sflag:$0x2], $0x80, s19, s14, $0xb8;
	[tilespmem:$0x1D000] =	vst v63  }
0x2a: {  	_ =	swait.ge [sflag:s12], $0x4000  }
0x2b: {  	s19 =	smov.u32 s21;
	[sflag:s12] =	ssyncset.done $0x0  }
0x2c: {  	s18 =	sshra.s32 s18, $0x2;
	[sflag:s12] =	ssyncadd.s32 $0xFFFFC000  }
0x2d: {  	[tilespmem:s15], [sflag:$0x1] =	stream.indirect.gather [hbm4b:s4+s14], $0x80, s18, s14, $0xb8;
	[tilespmem:$0x1D000] =	vst v63  }
0x2e: {  	_ =	swait.ge [sflag:s16], $0x4000  }
0x2f: {  	[sflag:s16] =	ssyncset.done $0x0  }
0x30: {  	s18 =	sadd.s32 $0x2800, s18;
	[sflag:s16] =	ssyncadd.s32 $0xFFFFC000  }
0x31: {  	[spmem:s2] =	stream.indirect.scatter.add.f32 [tilespmem:s15], [sflag:$0x2], $0x80, s18, s14, $0xb8;
	[tilespmem:$0x1D000] =	vst v63  }
0x32: {  	_ =	swait.ge [sflag:s12], $0x4000  }
0x33: {  	s17 =	sadd.s32 $0x1, s17;
	[sflag:s12] =	ssyncset.done $0x0  }
0x34: {  	p0 =	sne.s32 s17, s10;
	[sflag:s12] =	ssyncadd.s32 $0xFFFFC000  }
.Ltmp1:
0x35: {  	[bflag:$0x0] =	sbarrier.arrive $0xFFFF;
	(pc) =	sbr.rel @p0 .LBB2_1-.Ltmp1, $4  }
0x36: {  	[hbm:s9], [sflag:s6] =	dma.local [spmem:s11], $0x2800  }
0x37: {  	_ =	swait.ge [sflag:s12], $0x2800  }
0x38: {  	[sflag:s12] =	ssyncset.done $0x0  }
0x39: {  	[sflag:s12] =	ssyncadd.s32 $0xFFFFD800  }
0x3a: {  	_ =	sfence.sel $0x180000  }
0x3b: {  	[bflag:$0x0] =	sbarrier.arrive $0xFFFF  }
0x3c: {  	p0 =	sne.s32 s0, $0x0;
	_ =	strace $0x9000004D  }
0x3d: {  	s0 =	sadd.s32 @!p0 $0x100000, s1;
	[bflag:$0x2] =	sbarrier.arrive $0xFFFF  }
0x3e: {  	[sflag:s0] =	ssyncadd.tile.s32 @!p0 $0x1;
	_ =	shalt  }
.Lfunc_end2:
_tile_overlayer_lowered:
.L_overlay_start_2:
0x3f: {  	(tag) =	ssettag $0x2  }
0x40: {  	s0 =	rddreg [dreg:$0x0];
	s2 =	stileid.u32  }
0x41: {  	s1 =	rddreg [dreg:$0x1];
	p0 =	sne.s32 s2, $0x0  }
0x42: {  	s3 =	rddreg [dreg:$0x2];
	[bflag:$0x3] =	sbarrier.arrive $0xFFFF;
	s2 =	simm.s32 @!p0 $0x1C02  }
0x43: {  	[timem:s3], [sflag:s2] =	dma.local @!p0 [hbm:s0], s1  }
0x44: {  	s0 =	simm.s32 @!p0 $0x2  }
0x45: {  	_ =	swait.ge @!p0 [sflag:s0], s1  }
0x46: {  	s1 =	ssub.s32 @!p0 $0x0, s1;
	[sflag:s0] =	ssyncset.done @!p0 $0x0  }
0x47: {  	[sflag:s0] =	ssyncadd.s32 @!p0 s1  }
0x48: {  	[bflag:$0x3] =	sbarrier.arrive $0xFFFF  }
0x49: {  	_ =	shalt  }

// kernel: kernel.19.cloned.1.call-start
scs
__scs_entry_jumppad:
0x0: {  	(pc) =	sbr.rel $0x88, $3  }
0x1: {  	(tag) =	ssettag $0x0;
	lr =	simm.s32 $0x1  }
0x2: {  	[smem:$0x3F99] =	sst lr;
	_ =	strace $0xD0000000  }
0x3: {  	_ = 	snop  }
0x4: {  	_ = 	snop  }
0x5: {  	_ = 	snop  }
0x6: {  	_ = 	snop  }
0x7: {  	_ = 	snop  }
__scs_overlays_trampoline_lowered:
0x8: {  	[smem:$0x3FA8] =	sst s0  }
0x9: {  	[smem:$0x3FA9] =	sst s1  }
0xa: {  	[smem:$0x3FAA] =	sst s2  }
0xb: {  	[smem:$0x3FAB] =	sst s3  }
0xc: {  	[smem:$0x3FAC] =	sst s4  }
0xd: {  	[smem:$0x3FAD] =	sst s5  }
0xe: {  	[smem:$0x3FAE] =	sst s6  }
0xf: {  	[smem:$0x3FAF] =	sst s7  }
0x10: {  	[smem:$0x3FB0] =	sst s8  }
0x11: {  	[smem:$0x3FB1] =	sst s9;
	s0 =	simm.s32 @!p0 $0x0  }
0x12: {  	s1 =	sld [smem:$0x3F97];
	s0 =	simm.s32 @p0 $0x1  }
0x13: {  	[smem:$0x3FB2] =	sst s0;
	s0 =	simm.s32 @!p1 $0x0  }
0x14: {  	s2 =	sld [smem:$0x3F96];
	s0 =	simm.s32 @p1 $0x1  }
0x15: {  	[smem:$0x3FB3] =	sst s0;
	s0 =	simm.s32 @!p2 $0x0  }
0x16: {  	s3 =	sld [smem:$0x3FDB];
	s0 =	simm.s32 @p2 $0x1  }
0x17: {  	s4 =	simm.s32 $0x1BF5;
	[smem:$0x3FB5] =	sst s0  }
0x18: {  	s0 =	sld [smem:$0x3F98];
	_ =	swait.ge [sflag:s4], $0x0  }
0x19: {  	s7 =	sld [smem:$0x3F99]  }
0x1a: {  	s8 =	sadd.s32 $0xFFFFE003, lr  }
0x1b: {  	s9 =	sadd.s32 $0xFFFFFEF7, lr;
	s5 =	simm.s32 $0xFFFFFFFF;
	p2 =	slt.u32 s8, $0xFFFFF086  }
0x1c: {  	p1 =	slt.u32 s9, $0xF7A;
	s5 =	simm.s32 @!p2 $0x0  }
0x1d: {  	s5 =	simm.s32 @p1 $0x1;
	p0 =	seq.s32 s7, s2  }
0x1e: {  	s7 =	smul.u32 @!p0 $0xF7A, s2;
	p2 =	seq.s32 @!p0 s5, $0x0  }
0x1f: {  	s9 =	smul.u32 $0xF7A, s1;
	s8 =	simm.s32 @!p0 $0x1BF5;
	p2 =	por !p2, p0  }
0x20: {  	[sflag:s8] =	ssyncset.s32 @!p0 $0xFFFFF086;
	s6 =	sadd.s32 @!p0 s3, s7;
	s7 =	simm.s32 @!p0 $0x108  }
0x21: {  	s3 =	sadd.s32 s3, s9;
	s6 =	sadd.s32 @!p0 $0x88, s6;
	s7 =	simm.s32 @p2 $0x1082  }
0x22: {  	[simem:s7], [sflag:s8] =	dma.local @!p0 [hbm:s6], $0xF7A  }
0x23: {  	s9 =	sor.u32 $0xD0000000, s2;
	s6 =	simm.s32 $0x108;
	_ =	swait.ge @!p0 [sflag:s8], $0x0  }
0x24: {  	s3 =	sadd.s32 $0x88, s3;
	s6 =	simm.s32 @!p1 $0x1082;
	[sflag:s4] =	ssyncset.s32 $0xFFFFF086  }
0x25: {  	[simem:s6], [sflag:s4] =	dma.local [hbm:s3], $0xF7A  }
0x26: {  	[smem:$0x3F99] =	sst s1;
	(tag) =	ssettag s2;
	_ =	strace s9  }
0x27: {  	s1 =	sld [smem:$0x3FA9]  }
0x28: {  	s2 =	sld [smem:$0x3FAA]  }
0x29: {  	s4 =	sld [smem:$0x3FAC]  }
0x2a: {  	p0 =	seq.s32 s5, $0x0;
	s5 =	sld [smem:$0x3FAD]  }
0x2b: {  	s6 =	sld [smem:$0x3FAE]  }
0x2c: {  	s7 =	sld [smem:$0x3FAF]  }
0x2d: {  	s3 =	simm.s32 $0x108;
	s8 =	sld [smem:$0x3FB0]  }
0x2e: {  	s3 =	simm.s32 @!p0 $0x1082;
	s9 =	sld [smem:$0x3FB1]  }
0x2f: {  	lr =	sadd.s32 s0, s3;
	s0 =	sld [smem:$0x3FA8]  }
0x30: {  	s3 =	sld [smem:$0x3FAB]  }
0x31: {  	[smem:$0x3FB4] =	sst s10  }
0x32: {  	s10 =	sld [smem:$0x3FB2];
	_ =	sdelay $0x3  }
0x33: {  	p0 =	seq.s32 s10, $0x1;
	s10 =	sld [smem:$0x3FB4];
	_ =	sdelay $0x3  }
0x34: {  	[smem:$0x3FB4] =	sst s10  }
0x35: {  	s10 =	sld [smem:$0x3FB3];
	_ =	sdelay $0x3  }
0x36: {  	p1 =	seq.s32 s10, $0x1;
	s10 =	sld [smem:$0x3FB4];
	_ =	sdelay $0x3  }
0x37: {  	[smem:$0x3FB4] =	sst s10  }
0x38: {  	s10 =	sld [smem:$0x3FB5]  }
0x39: {  	_ = 	snop;
	(pc) =	sbr.ind lr, $3  }
0x3a: {  	_ = 	snop  }
0x3b: {  	_ = 	snop  }
0x3c: {  	p2 =	seq.s32 s10, $0x1;
	s10 =	sld [smem:$0x3FB4]  }
0x3d: {  	_ =	shalt  }
0x3e: {  	_ =	shalt  }
0x3f: {  	_ =	shalt  }
0x40: {  	_ =	shalt  }
0x41: {  	_ =	shalt  }
0x42: {  	_ =	shalt  }
0x43: {  	_ =	shalt  }
0x44: {  	_ =	shalt  }
0x45: {  	_ =	shalt  }
0x46: {  	_ =	shalt  }
0x47: {  	_ =	shalt  }
0x48: {  	_ =	shalt  }
0x49: {  	_ =	shalt  }
0x4a: {  	_ =	shalt  }
0x4b: {  	_ =	shalt  }
0x4c: {  	_ =	shalt  }
0x4d: {  	_ =	shalt  }
0x4e: {  	_ =	shalt  }
0x4f: {  	_ =	shalt  }
0x50: {  	_ =	shalt  }
0x51: {  	_ =	shalt  }
0x52: {  	_ =	shalt  }
0x53: {  	_ =	shalt  }
0x54: {  	_ =	shalt  }
0x55: {  	_ =	shalt  }
0x56: {  	_ =	shalt  }
0x57: {  	_ =	shalt  }
0x58: {  	_ =	shalt  }
0x59: {  	_ =	shalt  }
0x5a: {  	_ =	shalt  }
0x5b: {  	_ =	shalt  }
0x5c: {  	_ =	shalt  }
0x5d: {  	_ =	shalt  }
0x5e: {  	_ =	shalt  }
0x5f: {  	_ =	shalt  }
0x60: {  	_ =	shalt  }
0x61: {  	_ =	shalt  }
0x62: {  	_ =	shalt  }
0x63: {  	_ =	shalt  }
0x64: {  	_ =	shalt  }
0x65: {  	_ =	shalt  }
0x66: {  	_ =	shalt  }
0x67: {  	_ =	shalt  }
0x68: {  	_ =	shalt  }
0x69: {  	_ =	shalt  }
0x6a: {  	_ =	shalt  }
0x6b: {  	_ =	shalt  }
0x6c: {  	_ =	shalt  }
0x6d: {  	_ =	shalt  }
0x6e: {  	_ =	shalt  }
0x6f: {  	_ =	shalt  }
0x70: {  	_ =	shalt  }
0x71: {  	_ =	shalt  }
0x72: {  	_ =	shalt  }
0x73: {  	_ =	shalt  }
0x74: {  	_ =	shalt  }
0x75: {  	_ =	shalt  }
0x76: {  	_ =	shalt  }
0x77: {  	_ =	shalt  }
0x78: {  	_ =	shalt  }
0x79: {  	_ =	shalt  }
0x7a: {  	_ =	shalt  }
0x7b: {  	_ =	shalt  }
0x7c: {  	_ =	shalt  }
0x7d: {  	_ =	shalt  }
0x7e: {  	_ =	shalt  }
0x7f: {  	_ =	shalt  }
0x80: {  	_ =	shalt  }
0x81: {  	_ =	shalt  }
0x82: {  	_ =	shalt  }
0x83: {  	_ =	shalt  }
0x84: {  	_ =	shalt  }
0x85: {  	_ =	shalt  }
0x86: {  	_ =	shalt  }
0x87: {  	_ =	shalt  }
.Lfunc_end0:
.L_simem_size_0:
called_computation.3_lowered:
.L_overlay_start_0:
0x88: {  	s2 =	sld [smem:$0x3FD9]  }
0x89: {  	s3 =	sld [smem:$0x3FFE];
	_ =	sdelay $0x1  }
0x8a: {  	s1 =	srdreg.scid  }
0x8b: {  	s0 =	sand.u32 $0x1, s1  }
0x8c: {  	s17 =	sshll.u32 s0, $0xA;
	s2 =	sadd.s32 s3, s2  }
0x8d: {  	s2 =	sadd.s32 s2, s17  }
0x8e: {  	[smem:$0x3FC0] =	sst s2  }
0x8f: {  	_ = 	snop  }
0x90: {  	s2 =	sld [smem:$0x3FD0];
	(tm) =	ssettm $0x1  }
0x91: {  	s18 =	sld [smem:$0x3FFB];
	_ =	sdelay $0x3  }
0x92: {  	_ =	strace s18  }
0x93: {  	s3 =	sld [smem:$0x3FFC];
	_ =	sdelay $0x3  }
0x94: {  	_ =	strace s3  }
0x95: {  	s3 =	sld [smem:$0x3FFD];
	_ =	sdelay $0x3  }
0x96: {  	_ =	strace s3  }
0x97: {  	_ =	strace $0x8FFFFFFF  }
0x98: {  	s19 =	sld [smem:$0x3FDB];
	_ =	sdelay $0x1  }
0x99: {  	s4 =	simm.s32 $_scs_section_size  }
0x9a: {  	s5 =	simm.s32 $_size__tile_overlayer_lowered;
	s6 =	simm.s32 $_tile_overlayer_lowered  }
0x9b: {  	s22 =	simm.s32 $0x1BFF;
	s21 =	sshll.u32 s6, $0x1;
	s3 =	sadd.s32 s4, s19  }
0x9c: {  	s7 =	simm.s32 $0x0;
	s20 =	sshll.u32 s5, $0x1;
	s5 =	sadd.s32 s21, s3  }
0x9d: {  	[timem:s7], [sflag:s22] =	dma.local [hbm:s5], s20  }
0x9e: {  	_ =	swait.ge [sflag:s22], s20  }
0x9f: {  	s4 =	ssub.s32 $0x0, s20;
	[sflag:s22] =	ssyncset.done $0x0  }
0xa0: {  	[sflag:s22] =	ssyncadd.s32 s4;
	_ =	sdelay $0x1  }
0xa1: {  	s23 =	simm.s32 $0x1B8B  }
0xa2: {  	_ =	swait.ge [sflag:s23], $0x1  }
0xa3: {  	[sflag:s23] =	ssyncset.done $0x0  }
0xa4: {  	s25 =	simm.s32 $0x1B8E;
	s24 =	sld [smem:$0x3FFE];
	[sflag:s23] =	ssyncadd.s32 $0xFFFFFFFF  }
0xa5: {  	s26 =	simm.s32 $execute0_lowered;
	[smem:$0x3FD2] =	sst s25  }
0xa6: {  	s5 =	sshll.u32 s26, $0x1;
	_ =	strace $0x8000004F;
	[dreg:$0x1] =	wrdreg $0xFFFFFFFF  }
0xa7: {  	s28 =	simm.s32 $_size_execute0_lowered;
	s3 =	sadd.s32 s3, s5;
	[dreg:$0x0] =	wrdreg $0x0  }
0xa8: {  	s5 =	sshll.u32 s28, $0x1;
	[dreg:$0x2] =	wrdreg s3  }
0xa9: {  	[dreg:$0x3] =	wrdreg s5  }
0xaa: {  	[dreg:$0x4] =	wrdreg $0xC0  }
0xab: {  	_ =	task [dreg:s7], $0x5FFFF  }
0xac: {  	[dreg:$0x1] =	wrdreg $0xFFFFFFFF  }
0xad: {  	[dreg:$0x0] =	wrdreg $0x60  }
0xae: {  	[dreg:$0x2] =	wrdreg s24  }
0xaf: {  	[dreg:$0x3] =	wrdreg s2  }
0xb0: {  	[dreg:$0x4] =	wrdreg $0x90000  }
0xb1: {  	[dreg:$0x5] =	wrdreg $0x9  }
0xb2: {  	_ =	task.clear_ibuf [dreg:s7], $0x6FFFF;
	_ =	strace $0x9000004F  }
0xb3: {  	s29 =	simm.s32 $0x9;
	_ =	strace $0x80000051  }
0xb4: {  	_ =	swait.ge [sflag:s29], $0x1  }
0xb5: {  	[sflag:s29] =	ssyncadd.s32 $0xFFFFFFFF  }
0xb6: {  	_ =	strace $0x90000051  }
0xb7: {  	_ =	sfence  }
0xb8: {  	s30 =	sld [smem:$0x0];
	_ =	sdelay $0x2  }
0xb9: {  	s31 =	sshll.u32 s1, $0xD;
	s1 =	sshrl.u32 s1, $0x2  }
0xba: {  	s3 =	sand.u32 $0x4000, s31;
	s1 =	sadd.s32 s1, s30  }
0xbb: {  	s0 =	sor.u32 s3, s0;
	s1 =	sshll.u32 s1, $0x11  }
0xbc: {  	s0 =	sor.u32 s1, s0  }
0xbd: {  	s0 =	sadd.s32 $0x8F2B, s0  }
0xbe: {  	[sflag:s0] =	ssyncadd.remote.s32 $0x1  }
0xbf: {  	_ =	sfence.sel $0xFFFF  }
0xc0: {  	[dreg:$0x0] =	wrdreg $0xFFFFFFFF;
	(pc) =	sbr.abs _section_cstart, $3  }
0xc1: {  	[dreg:$0x1] =	wrdreg $0xFFFFFFFF  }
0xc2: {  	_ =	task.clear_ibuf [dreg:s7], $0x2FFFF;
	_ =	strace $0x9FFFFFFF  }
0xc3: {  	(tm) =	ssettm $0x7FFFFFFF  }
tec
execute0_lowered:
.L_overlay_start_1:
0x0: {  	(tag) =	ssettag $0x1  }
0x1: {  	s6 =	rddreg [dreg:$0x0]  }
0x2: {  	s1 =	srdreg.scid;
	s8 =	rddreg [dreg:$0x1]  }
0x3: {  	s0 =	stileid.u32;
	s2 =	rddreg [dreg:$0x2];
	s3 =	simm.s32 $0x0  }
0x4: {  	s14 =	simm.s32 $0x80;
	s15 =	simm.s32 $0x5000;
	s16 =	simm.s32 $0x1  }
0x5: {  	s17 =	simm.s32 $0x0;
	s7 =	sand.u32 $0x1, s1;
	s1 =	rddreg [dreg:$0x3]  }
0x6: {  	s26 =	sshll.u32 s0, $0x1;
	[smem:$0x7FF] =	sst s3;
	s10 =	smul.u32 $0x2800, s0  }
0x7: {  	s13 =	smul.u32 $0x50000, s0;
	s5 =	sadd.s32 $0x2A00, s6;
	s31 =	sshll.u32 s0, $0x6  }
0x8: {  	s4 =	sor.u32 s7, s26;
	_ =	strace $0x80000050;
	s11 =	smul.u32 $0x28000, s7  }
0x9: {  	s7 =	ssub.s32 $0x2, s7;
	s9 =	smul.u32 $0x500, s4;
	s4 =	sadd.s32 $0x5200, s6  }
0xa: {  	s28 =	sshrl.u32 s7, $0x1;
	s29 =	sshrl.u32 s13, $0x2;
	s13 =	simm.s32 $0x2800  }
0xb: {  	s10 =	sadd.s32 s10, s11;
	s30 =	ssub.s32 s7, s28;
	s11 =	sadd.s32 s29, s2  }
0xc: {  	s12 =	sadd.s32 s9, s6;
	s10 =	sadd.s32 s10, s6;
	s6 =	sor.u32 $0x1C02, s31  }
0xd: {  	s8 =	sadd.s32 s8, s9;
	s11 =	sshrl.u32 s11, $0x3;
	s7 =	sadd.s32 $0x55A00, s12  }
0xe: {  	s9 =	sadd.s32 $0x5FA00, s10;
	s10 =	smax.u32 s30, $0x1;
	s12 =	simm.s32 $0x2  }
.LBB2_1:
0xf: {  	[spmem:s11], [sflag:s6] =	dma.local [hbm:s5], $0x2800  }
0x10: {  	_ =	swait.ge [sflag:s12], $0x2800  }
0x11: {  	[sflag:s12] =	ssyncset.done $0x0  }
0x12: {  	[sflag:s12] =	ssyncadd.s32 $0xFFFFD800  }
0x13: {  	[tilespmem:s3], [sflag:$0x2] =	stream.linear.gather [hbm4b:s7+s3], $0x2780, $0x38;
	[tilespmem:$0x1D000] =	vst v63  }
0x14: {  	_ =	swait.ge [sflag:s12], $0x2780  }
0x15: {  	[sflag:s12] =	ssyncset.done $0x0  }
0x16: {  	[sflag:s12] =	ssyncadd.s32 $0xFFFFD880  }
0x17: {  	[tilespmem:s13], [sflag:$0x2] =	stream.linear.gather [hbm4b:s8+s3], $0x2780, $0x38;
	[tilespmem:$0x1D000] =	vst v63  }
0x18: {  	_ =	swait.ge [sflag:s12], $0x2780  }
0x19: {  	[sflag:s12] =	ssyncset.done $0x0  }
0x1a: {  	[sflag:s12] =	ssyncadd.s32 $0xFFFFD880  }
0x1b: {  	s18 =	simm.s32 $0x0;
	[bflag:$0x0] =	sbarrier.arrive $0xFFFF  }
0x1c: {  	[tilespmem:s15], [sflag:$0x1] =	stream.indirect.gather [hbm4b:s4+s14], $0x80, s18, s14, $0xb8;
	[tilespmem:$0x1D000] =	vst v63  }
0x1d: {  	_ =	swait.ge [sflag:s16], $0x4000  }
0x1e: {  	[sflag:s16] =	ssyncset.done $0x0  }
0x1f: {  	s31 =	simm.s32 $0x2800;
	[sflag:s16] =	ssyncadd.s32 $0xFFFFC000  }
0x20: {  	[spmem:s2] =	stream.indirect.scatter.add.f32 [tilespmem:s15], [sflag:$0x2], $0x80, s31, s14, $0xb8;
	[tilespmem:$0x1D000] =	vst v63  }
0x21: {  	_ =	swait.ge [sflag:s12], $0x4000  }
0x22: {  	s19 =	simm.s32 $0x400;
	s18 =	simm.s32 $0x200;
	[sflag:s12] =	ssyncset.done $0x0  }
.LBB2_2:
0x23: {  	s20 =	sshra.s32 s18, $0x2  }
0x24: {  	[sflag:s12] =	ssyncadd.s32 $0xFFFFC000;
	s18 =	smov.u32 s19;
	s21 =	sadd.s32 $0x200, s19  }
0x25: {  	[tilespmem:s15], [sflag:$0x1] =	stream.indirect.gather [hbm4b:s4+s14], $0x80, s20, s14, $0xb8;
	[tilespmem:$0x1D000] =	vst v63  }
0x26: {  	p0 =	sne.s32 s19, $0x9C00;
	_ =	swait.ge [sflag:s16], $0x4000  }
.Ltmp0:
0x27: {  	[sflag:s16] =	ssyncset.done $0x0;
	(pc) =	sbr.rel @p0 .LBB2_2-.Ltmp0, $4  }
0x28: {  	s19 =	sadd.s32 $0x2800, s20;
	[sflag:s16] =	ssyncadd.s32 $0xFFFFC000  }
0x29: {  	[spmem:s2] =	stream.indirect.scatter.add.f32 [tilespmem:s15], [sflag:$0x2], $0x80, s19, s14, $0xb8;
	[tilespmem:$0x1D000] =	vst v63  }
0x2a: {  	_ =	swait.ge [sflag:s12], $0x4000  }
0x2b: {  	s19 =	smov.u32 s21;
	[sflag:s12] =	ssyncset.done $0x0  }
0x2c: {  	s18 =	sshra.s32 s18, $0x2;
	[sflag:s12] =	ssyncadd.s32 $0xFFFFC000  }
0x2d: {  	[tilespmem:s15], [sflag:$0x1] =	stream.indirect.gather [hbm4b:s4+s14], $0x80, s18, s14, $0xb8;
	[tilespmem:$0x1D000] =	vst v63  }
0x2e: {  	_ =	swait.ge [sflag:s16], $0x4000  }
0x2f: {  	[sflag:s16] =	ssyncset.done $0x0  }
0x30: {  	s18 =	sadd.s32 $0x2800, s18;
	[sflag:s16] =	ssyncadd.s32 $0xFFFFC000  }
0x31: {  	[spmem:s2] =	stream.indirect.scatter.add.f32 [tilespmem:s15], [sflag:$0x2], $0x80, s18, s14, $0xb8;
	[tilespmem:$0x1D000] =	vst v63  }
0x32: {  	_ =	swait.ge [sflag:s12], $0x4000  }
0x33: {  	s17 =	sadd.s32 $0x1, s17;
	[sflag:s12] =	ssyncset.done $0x0  }
0x34: {  	p0 =	sne.s32 s17, s10;
	[sflag:s12] =	ssyncadd.s32 $0xFFFFC000  }
.Ltmp1:
0x35: {  	[bflag:$0x0] =	sbarrier.arrive $0xFFFF;
	(pc) =	sbr.rel @p0 .LBB2_1-.Ltmp1, $4  }
0x36: {  	[hbm:s9], [sflag:s6] =	dma.local [spmem:s11], $0x2800  }
0x37: {  	_ =	swait.ge [sflag:s12], $0x2800  }
0x38: {  	[sflag:s12] =	ssyncset.done $0x0  }
0x39: {  	[sflag:s12] =	ssyncadd.s32 $0xFFFFD800  }
0x3a: {  	_ =	sfence.sel $0x180000  }
0x3b: {  	[bflag:$0x0] =	sbarrier.arrive $0xFFFF  }
0x3c: {  	p0 =	sne.s32 s0, $0x0;
	_ =	strace $0x90000050  }
0x3d: {  	s0 =	sadd.s32 @!p0 $0x100000, s1;
	[bflag:$0x2] =	sbarrier.arrive $0xFFFF  }
0x3e: {  	[sflag:s0] =	ssyncadd.tile.s32 @!p0 $0x1;
	_ =	shalt  }
.Lfunc_end2:
_tile_overlayer_lowered:
.L_overlay_start_2:
0x3f: {  	(tag) =	ssettag $0x2  }
0x40: {  	s0 =	rddreg [dreg:$0x0];
	s2 =	stileid.u32  }
0x41: {  	s1 =	rddreg [dreg:$0x1];
	p0 =	sne.s32 s2, $0x0  }
0x42: {  	s3 =	rddreg [dreg:$0x2];
	[bflag:$0x3] =	sbarrier.arrive $0xFFFF;
	s2 =	simm.s32 @!p0 $0x1C02  }
0x43: {  	[timem:s3], [sflag:s2] =	dma.local @!p0 [hbm:s0], s1  }
0x44: {  	s0 =	simm.s32 @!p0 $0x2  }
0x45: {  	_ =	swait.ge @!p0 [sflag:s0], s1  }
0x46: {  	s1 =	ssub.s32 @!p0 $0x0, s1;
	[sflag:s0] =	ssyncset.done @!p0 $0x0  }
0x47: {  	[sflag:s0] =	ssyncadd.s32 @!p0 s1  }
0x48: {  	[bflag:$0x3] =	sbarrier.arrive $0xFFFF  }
0x49: {  	_ =	shalt  }

</sc_bundles>
